<compile_context>
chip_gen: v7x
topology: tpu7x:2x2x1
jax: 0.10.2.dev20260603
libtpu: 0.0.44.dev20260713+nightly
codegen_flags: <defaults>
</compile_context>

<pallas_src>
import jax
import jax.numpy as jnp
from jax import lax
from jax.experimental import pallas as pl
from jax.experimental.pallas import tpu as pltpu
from jax.experimental.pallas import tpu_sc as plsc

GRID = 90
ROWS = GRID * GRID
D = 256
L = 16
NC = 2
NS = 16
NW = NC * NS
P_SPLIT = GRID - NW
DK = D // L
BIG_F32 = 3.0e38


def _som_bmu_sc(x_hbm, w_hbm, dist_out, info_out,
                x_v, buf2, tmp_d, tmp_i, red_d, red_i,
                shared_d, shared_i, sem0):
    cid = lax.axis_index("c")
    sid = lax.axis_index("s")
    wid = sid * NC + cid

    pidx = P_SPLIT + wid
    copy = pltpu.async_copy(w_hbm.at[pidx], buf2, sem0)

    pltpu.sync_copy(x_hbm, x_v)
    xs = [x_v[pl.ds(16 * k, 16)] for k in range(DK)]

    iota = lax.iota(jnp.int32, L)
    inf = jnp.full((L,), jnp.inf, jnp.float32)
    zero_i = jnp.zeros((L,), jnp.int32)
    rowoff = (iota >> 3) & 1

    def leaf(j):
        a = jnp.zeros((L,), jnp.float32)
        b = jnp.zeros((L,), jnp.float32)
        for k in range(DK // 2):
            va = buf2[j, pl.ds(16 * k, 16)] - xs[k]
            a = a + va * va
            vb = buf2[j, pl.ds(16 * (k + 8), 16)] - xs[k + 8]
            b = b + vb * vb
        return a + b

    copy.wait()
    prow = pidx * GRID

    def grp_body(g, carry):
        best, bidx = carry
        jb = g * 2
        a0 = leaf(jb)
        a1 = leaf(jb + 1)
        s = jnp.where((iota & 8) == 0, a0 + a0[iota ^ 8], a1 + a1[iota ^ 8])
        s = s + s[iota ^ 4]
        s = s + s[iota ^ 2]
        s = s + s[iota ^ 1]
        rows = prow + jb + rowoff
        better = s < best
        best = jnp.where(better, s, best)
        bidx = jnp.where(better, rows, bidx)
        return best, bidx

    best, bidx = lax.fori_loop(0, GRID // 2, grp_body, (inf, zero_i))

    for dd in (8, 4, 2, 1):
        od = best[iota ^ dd]
        oi = bidx[iota ^ dd]
        take = (od < best) | ((od == best) & (oi < bidx))
        best = jnp.where(take, od, best)
        bidx = jnp.where(take, oi, bidx)

    tmp_d[:] = best
    tmp_i[:] = bidx
    soff = pl.multiple_of(sid * L, 16)
    pltpu.sync_copy(tmp_d, shared_d.at[pl.ds(soff, L)])
    pltpu.sync_copy(tmp_i, shared_i.at[pl.ds(soff, L)])
    plsc.subcore_barrier()

    @pl.when(sid == 0)
    def _():
        pltpu.sync_copy(shared_d, red_d)
        pltpu.sync_copy(shared_i, red_i)
        bd = red_d[pl.ds(0, L)]
        bi = red_i[pl.ds(0, L)]
        for srow in range(1, NS):
            d_ = red_d[pl.ds(srow * L, L)]
            i_ = red_i[pl.ds(srow * L, L)]
            take = (d_ < bd) | ((d_ == bd) & (i_ < bi))
            bd = jnp.where(take, d_, bd)
            bi = jnp.where(take, i_, bi)
        gi = (bi.astype(jnp.float32) * (1.0 / GRID)).astype(jnp.int32)
        gj = bi - gi * GRID
        info = jnp.where(iota == 0, gi, gj)
        info = jnp.where(iota < 2, info, bi)
        tmp_d[:] = bd
        tmp_i[:] = info
        coff = pl.multiple_of(cid * L, 16)
        pltpu.sync_copy(tmp_d, dist_out.at[pl.ds(coff, L)])
        pltpu.sync_copy(tmp_i, info_out.at[pl.ds(coff, L)])


TC_BLOCK = 29


def _bmu_tc(x_ref, w_ref, d_out, i_out, best, bidx):
    p = pl.program_id(0)

    @pl.when(p == 0)
    def _():
        best[0] = BIG_F32
        bidx[0] = 0

    w = w_ref[...]
    dv = w - x_ref[:].reshape(1, 1, D)
    s2 = jnp.sum(dv * dv, axis=2)
    fi = (lax.broadcasted_iota(jnp.int32, (TC_BLOCK, GRID), 0) * GRID
          + lax.broadcasted_iota(jnp.int32, (TC_BLOCK, GRID), 1))
    m = jnp.min(s2)
    a = jnp.min(jnp.where(s2 == m, fi, ROWS))

    @pl.when(m < best[0])
    def _():
        best[0] = m
        bidx[0] = p * (TC_BLOCK * GRID) + a

    d_out[0] = best[0]
    i_out[0] = bidx[0]


def _combine_tc(scd_ref, sci_ref, tcd_ref, tci_ref, o_ref):
    d0, d1 = scd_ref[0], scd_ref[L]
    f0, f1 = sci_ref[2], sci_ref[L + 2]
    take0 = (d0 < d1) | ((d0 == d1) & (f0 <= f1))
    scd = jnp.where(take0, d0, d1)
    sci_i = jnp.where(take0, sci_ref[0], sci_ref[L])
    sci_j = jnp.where(take0, sci_ref[1], sci_ref[L + 1])
    td, tf = tcd_ref[0], tci_ref[0]
    take_tc = (td <= scd)
    o_ref[0] = jnp.where(take_tc, tf // GRID, sci_i)
    o_ref[1] = jnp.where(take_tc, tf % GRID, sci_j)


@jax.jit
def kernel(x, weights):
    mesh = plsc.VectorSubcoreMesh(core_axis_name="c", subcore_axis_name="s")
    dist_out, info_out = pl.kernel(
        _som_bmu_sc,
        mesh=mesh,
        out_type=[
            jax.ShapeDtypeStruct((NC * L,), jnp.float32),
            jax.ShapeDtypeStruct((NC * L,), jnp.int32),
        ],
        scratch_types=[
            pltpu.VMEM((D,), jnp.float32),
            pltpu.VMEM((GRID, D), jnp.float32),
            pltpu.VMEM((L,), jnp.float32),
            pltpu.VMEM((L,), jnp.int32),
            pltpu.VMEM((NS * L,), jnp.float32),
            pltpu.VMEM((NS * L,), jnp.int32),
            pltpu.VMEM_SHARED((NS * L,), jnp.float32),
            pltpu.VMEM_SHARED((NS * L,), jnp.int32),
            pltpu.SemaphoreType.DMA,
        ],
    )(x, weights)

    tc_d, tc_i = pl.pallas_call(
        _bmu_tc,
        grid=(P_SPLIT // TC_BLOCK,),
        in_specs=[
            pl.BlockSpec((D,), lambda p: (0,)),
            pl.BlockSpec((TC_BLOCK, GRID, D), lambda p: (p, 0, 0)),
        ],
        out_specs=[pl.BlockSpec(memory_space=pltpu.SMEM),
                   pl.BlockSpec(memory_space=pltpu.SMEM)],
        out_shape=[jax.ShapeDtypeStruct((1,), jnp.float32),
                   jax.ShapeDtypeStruct((1,), jnp.int32)],
        scratch_shapes=[pltpu.SMEM((1,), jnp.float32),
                        pltpu.SMEM((1,), jnp.int32)],
    )(x, weights)

    return pl.pallas_call(
        _combine_tc,
        out_shape=jax.ShapeDtypeStruct((2,), jnp.int32),
        in_specs=[pl.BlockSpec(memory_space=pltpu.SMEM),
                  pl.BlockSpec(memory_space=pltpu.SMEM),
                  pl.BlockSpec(memory_space=pltpu.SMEM),
                  pl.BlockSpec(memory_space=pltpu.SMEM)],
        out_specs=pl.BlockSpec(memory_space=pltpu.SMEM),
    )(dist_out, info_out, tc_d, tc_i)

# --- scband reference (transcript-rebuilt; emitter-appended) ---
"""Pipeline reference for scband-som-52192442581699 (READ-ONLY COPY).

The authoritative reference and input builder live on the scoring server;
editing this copy changes nothing except your own understanding.
"""

import jax, jax.numpy as jnp
import numpy as np

GRID_SIZE = 90
INPUT_DIM = 256

def setup_inputs(seed: int = 0) -> dict:
    key = jax.random.key(seed)
    k1, k2 = jax.random.split(key)
    x = jax.random.normal(k1, (INPUT_DIM,), dtype=jnp.float32)
    # learned SOM codebook parameter, sized per init_kwargs
    weights = jax.random.normal(k2, (GRID_SIZE, GRID_SIZE, INPUT_DIM), dtype=jnp.float32)
    return {"x": x, "weights": weights}

def reference(x, weights):
    # Faithful translation of SOM.forward -> find_bmu
    diff = weights - x  # broadcast over [G, G, D]
    dist = jnp.linalg.norm(diff, axis=2)  # [G, G]
    bmu_idx = jnp.argmin(dist)  # flat argmin over the full grid
    bmu = jnp.unravel_index(bmu_idx, (GRID_SIZE, GRID_SIZE))
    return jnp.stack(bmu)  # int array [2] = (i, j) of best matching unit

if __name__ == "__main__":
    import jax
    _d = setup_inputs()
    print(jax.jit(kernel)(*tuple(_d.values())))

</pallas_src>

<mosaic_0001>
#map = affine_map<(d0, d1) -> (0)>
#map1 = affine_map<(d0, d1) -> (0, 0, 0)>
module attributes {stable_mosaic.version = 14 : i64} {
  func.func @_som_bmu_sc(%arg0: i32, %arg1: i32, %arg2: memref<256xf32, #tpu.memory_space<hbm>>, %arg3: memref<90x90x256xf32, #tpu.memory_space<hbm>>, %arg4: memref<32xf32, #tpu.memory_space<hbm>>, %arg5: memref<32xi32, #tpu.memory_space<hbm>>, %arg6: memref<256xf32, #tpu.memory_space<vmem>>, %arg7: memref<90x256xf32, #tpu.memory_space<vmem>>, %arg8: memref<16xf32, #tpu.memory_space<vmem>>, %arg9: memref<16xi32, #tpu.memory_space<vmem>>, %arg10: memref<256xf32, #tpu.memory_space<vmem>>, %arg11: memref<256xi32, #tpu.memory_space<vmem>>, %arg12: memref<256xf32, #tpu.memory_space<vmem_shared>>, %arg13: memref<256xi32, #tpu.memory_space<vmem_shared>>, %arg14: memref<!tpu.dma_semaphore, #tpu.memory_space<semaphore_mem>>) attributes {dimension_semantics = [#tpu.dimension_semantics<core_parallel>, #tpu.dimension_semantics<subcore_parallel>], iteration_bounds = array<i64: 2, 16>, scalar_prefetch = 0 : i64, scratch_operands = 9 : i64, tpu.core_type = #tpu.core_type<sc_vector_subcore>, window_params = [{transform_indices = #map}, {transform_indices = #map1}, {transform_indices = #map}, {transform_indices = #map}]} {
    %mul3A = arith.constant 2 : i32
    %mul3A_0 = arith.muli %arg1, %mul3A : i32
    %add3A = arith.addi %mul3A_0, %arg0 : i32
    %add3A_1 = arith.constant 58 : i32
    %add3A_2 = arith.addi %add3A_1, %add3A : i32
    %dma_start3A = arith.constant 0 : i32
    %dma_start3A_3 = arith.constant 0 : i32
    %dma_start3A_4 = tpu.memref_slice %arg3[%add3A_2, %dma_start3A, %dma_start3A_3] : memref<90x90x256xf32, #tpu.memory_space<hbm>> -> memref<1x90x256xf32, #tpu.memory_space<hbm>>
    %dma_start3A_5 = tpu.memref_squeeze %dma_start3A_4 : memref<1x90x256xf32, #tpu.memory_space<hbm>> -> memref<90x256xf32, #tpu.memory_space<hbm>>
    %dma_start3A_6 = arith.constant 0 : i32
    %dma_start3A_7 = arith.constant 0 : i32
    %dma_start3A_8 = tpu.memref_slice %arg3[%add3A_2, %dma_start3A_6, %dma_start3A_7] : memref<90x90x256xf32, #tpu.memory_space<hbm>> -> memref<1x90x256xf32, #tpu.memory_space<hbm>>
    %dma_start3A_9 = tpu.memref_squeeze %dma_start3A_8 : memref<1x90x256xf32, #tpu.memory_space<hbm>> -> memref<90x256xf32, #tpu.memory_space<hbm>>
    tpu.enqueue_dma source(%dma_start3A_9 : memref<90x256xf32, #tpu.memory_space<hbm>>) target(%arg7 : memref<90x256xf32, #tpu.memory_space<vmem>>) target_semaphore(%arg14 : memref<!tpu.dma_semaphore, #tpu.memory_space<semaphore_mem>>)
    "tpu.region"() ({
      %run_scoped3A = tpu.sem_alloc : memref<!tpu.dma_semaphore, #tpu.memory_space<semaphore_mem>>
      tpu.enqueue_dma source(%arg2 : memref<256xf32, #tpu.memory_space<hbm>>) target(%arg6 : memref<256xf32, #tpu.memory_space<vmem>>) target_semaphore(%run_scoped3A : memref<!tpu.dma_semaphore, #tpu.memory_space<semaphore_mem>>)
      tpu.wait_dma2 semaphore(%run_scoped3A : memref<!tpu.dma_semaphore, #tpu.memory_space<semaphore_mem>>) src(%arg2 : memref<256xf32, #tpu.memory_space<hbm>>) dst(%arg6 : memref<256xf32, #tpu.memory_space<vmem>>)
      tpu.yield
    }) : () -> ()
    %get3A = arith.constant 0 : index
    %get3A_10 = tpu.vector_load %arg6[%get3A] {strides = array<i32>} : memref<256xf32, #tpu.memory_space<vmem>>, vector<16xf32>,
    %get3A_11 = vector.shape_cast %get3A_10 : vector<16xf32> to vector<16xf32>
    %get3A_12 = arith.constant 16 : index
    %get3A_13 = tpu.vector_load %arg6[%get3A_12] {strides = array<i32>} : memref<256xf32, #tpu.memory_space<vmem>>, vector<16xf32>,
    %get3A_14 = vector.shape_cast %get3A_13 : vector<16xf32> to vector<16xf32>
    %get3A_15 = arith.constant 32 : index
    %get3A_16 = tpu.vector_load %arg6[%get3A_15] {strides = array<i32>} : memref<256xf32, #tpu.memory_space<vmem>>, vector<16xf32>,
    %get3A_17 = vector.shape_cast %get3A_16 : vector<16xf32> to vector<16xf32>
    %get3A_18 = arith.constant 48 : index
    %get3A_19 = tpu.vector_load %arg6[%get3A_18] {strides = array<i32>} : memref<256xf32, #tpu.memory_space<vmem>>, vector<16xf32>,
    %get3A_20 = vector.shape_cast %get3A_19 : vector<16xf32> to vector<16xf32>
    %get3A_21 = arith.constant 64 : index
    %get3A_22 = tpu.vector_load %arg6[%get3A_21] {strides = array<i32>} : memref<256xf32, #tpu.memory_space<vmem>>, vector<16xf32>,
    %get3A_23 = vector.shape_cast %get3A_22 : vector<16xf32> to vector<16xf32>
    %get3A_24 = arith.constant 80 : index
    %get3A_25 = tpu.vector_load %arg6[%get3A_24] {strides = array<i32>} : memref<256xf32, #tpu.memory_space<vmem>>, vector<16xf32>,
    %get3A_26 = vector.shape_cast %get3A_25 : vector<16xf32> to vector<16xf32>
    %get3A_27 = arith.constant 96 : index
    %get3A_28 = tpu.vector_load %arg6[%get3A_27] {strides = array<i32>} : memref<256xf32, #tpu.memory_space<vmem>>, vector<16xf32>,
    %get3A_29 = vector.shape_cast %get3A_28 : vector<16xf32> to vector<16xf32>
    %get3A_30 = arith.constant 112 : index
    %get3A_31 = tpu.vector_load %arg6[%get3A_30] {strides = array<i32>} : memref<256xf32, #tpu.memory_space<vmem>>, vector<16xf32>,
    %get3A_32 = vector.shape_cast %get3A_31 : vector<16xf32> to vector<16xf32>
    %get3A_33 = arith.constant 128 : index
    %get3A_34 = tpu.vector_load %arg6[%get3A_33] {strides = array<i32>} : memref<256xf32, #tpu.memory_space<vmem>>, vector<16xf32>,
    %get3A_35 = vector.shape_cast %get3A_34 : vector<16xf32> to vector<16xf32>
    %get3A_36 = arith.constant 144 : index
    %get3A_37 = tpu.vector_load %arg6[%get3A_36] {strides = array<i32>} : memref<256xf32, #tpu.memory_space<vmem>>, vector<16xf32>,
    %get3A_38 = vector.shape_cast %get3A_37 : vector<16xf32> to vector<16xf32>
    %get3A_39 = arith.constant 160 : index
    %get3A_40 = tpu.vector_load %arg6[%get3A_39] {strides = array<i32>} : memref<256xf32, #tpu.memory_space<vmem>>, vector<16xf32>,
    %get3A_41 = vector.shape_cast %get3A_40 : vector<16xf32> to vector<16xf32>
    %get3A_42 = arith.constant 176 : index
    %get3A_43 = tpu.vector_load %arg6[%get3A_42] {strides = array<i32>} : memref<256xf32, #tpu.memory_space<vmem>>, vector<16xf32>,
    %get3A_44 = vector.shape_cast %get3A_43 : vector<16xf32> to vector<16xf32>
    %get3A_45 = arith.constant 192 : index
    %get3A_46 = tpu.vector_load %arg6[%get3A_45] {strides = array<i32>} : memref<256xf32, #tpu.memory_space<vmem>>, vector<16xf32>,
    %get3A_47 = vector.shape_cast %get3A_46 : vector<16xf32> to vector<16xf32>
    %get3A_48 = arith.constant 208 : index
    %get3A_49 = tpu.vector_load %arg6[%get3A_48] {strides = array<i32>} : memref<256xf32, #tpu.memory_space<vmem>>, vector<16xf32>,
    %get3A_50 = vector.shape_cast %get3A_49 : vector<16xf32> to vector<16xf32>
    %get3A_51 = arith.constant 224 : index
    %get3A_52 = tpu.vector_load %arg6[%get3A_51] {strides = array<i32>} : memref<256xf32, #tpu.memory_space<vmem>>, vector<16xf32>,
    %get3A_53 = vector.shape_cast %get3A_52 : vector<16xf32> to vector<16xf32>
    %get3A_54 = arith.constant 240 : index
    %get3A_55 = tpu.vector_load %arg6[%get3A_54] {strides = array<i32>} : memref<256xf32, #tpu.memory_space<vmem>>, vector<16xf32>,
    %get3A_56 = vector.shape_cast %get3A_55 : vector<16xf32> to vector<16xf32>
    %iota3A = tpu.iota {dimensions = array<i32: 0>} : vector<16xi32>
    %broadcast_in_dim3A = arith.constant 0x7F800000 : f32
    %broadcast_in_dim3A_57 = vector.broadcast %broadcast_in_dim3A : f32 to vector<16xf32>
    %broadcast_in_dim3A_58 = arith.constant 0 : i32
    %broadcast_in_dim3A_59 = vector.broadcast %broadcast_in_dim3A_58 : i32 to vector<16xi32>
    %shift_right_arithmetic3A = arith.constant 3 : i32
    %shift_right_arithmetic3A_60 = vector.broadcast %shift_right_arithmetic3A : i32 to vector<16xi32>
    %shift_right_arithmetic3A_61 = arith.shrsi %iota3A, %shift_right_arithmetic3A_60 : vector<16xi32>
    %and3A = arith.constant 1 : i32
    %and3A_62 = vector.broadcast %and3A : i32 to vector<16xi32>
    %and3A_63 = arith.andi %shift_right_arithmetic3A_61, %and3A_62 : vector<16xi32>
    %dma_wait3A = arith.constant 0 : i32
    %dma_wait3A_64 = arith.constant 0 : i32
    %dma_wait3A_65 = tpu.memref_slice %arg3[%add3A_2, %dma_wait3A, %dma_wait3A_64] : memref<90x90x256xf32, #tpu.memory_space<hbm>> -> memref<1x90x256xf32, #tpu.memory_space<hbm>>
    %dma_wait3A_66 = tpu.memref_squeeze %dma_wait3A_65 : memref<1x90x256xf32, #tpu.memory_space<hbm>> -> memref<90x256xf32, #tpu.memory_space<hbm>>
    %dma_wait3A_67 = arith.constant 0 : i32
    %dma_wait3A_68 = arith.constant 0 : i32
    %dma_wait3A_69 = tpu.memref_slice %arg3[%add3A_2, %dma_wait3A_67, %dma_wait3A_68] : memref<90x90x256xf32, #tpu.memory_space<hbm>> -> memref<1x90x256xf32, #tpu.memory_space<hbm>>
    %dma_wait3A_70 = tpu.memref_squeeze %dma_wait3A_69 : memref<1x90x256xf32, #tpu.memory_space<hbm>> -> memref<90x256xf32, #tpu.memory_space<hbm>>
    tpu.wait_dma2 semaphore(%arg14 : memref<!tpu.dma_semaphore, #tpu.memory_space<semaphore_mem>>) src(%dma_wait3A_70 : memref<90x256xf32, #tpu.memory_space<hbm>>) dst(%arg7 : memref<90x256xf32, #tpu.memory_space<vmem>>)
    %mul3A_71 = arith.constant 90 : i32
    %mul3A_72 = arith.muli %add3A_2, %mul3A_71 : i32
    %scan3A = arith.constant 0 : i32
    %scan3A_73 = arith.constant 45 : i32
    %scan3A_74 = arith.addi %scan3A, %scan3A_73 : i32
    %scan3A_75 = arith.constant 1 : i32
    %scan3A_76:2 = scf.for %scan3A_216 = %scan3A to %scan3A_74 step %scan3A_75 iter_args(%scan3A_217 = %broadcast_in_dim3A_57, %scan3A_218 = %broadcast_in_dim3A_59) -> (vector<16xf32>, vector<16xi32>)  : i32 {
      %mul3A_219 = arith.constant 2 : i32
      %mul3A_220 = arith.muli %scan3A_216, %mul3A_219 : i32
      %broadcast_in_dim3A_221 = arith.constant 0.000000e+00 : f32
      %broadcast_in_dim3A_222 = vector.broadcast %broadcast_in_dim3A_221 : f32 to vector<16xf32>
      %broadcast_in_dim3A_223 = arith.constant 0.000000e+00 : f32
      %broadcast_in_dim3A_224 = vector.broadcast %broadcast_in_dim3A_223 : f32 to vector<16xf32>
      %get3A_225 = arith.index_cast %mul3A_220 : i32 to index
      %get3A_226 = arith.constant 0 : index
      %get3A_227 = tpu.vector_load %arg7[%get3A_225, %get3A_226] {strides = array<i32>} : memref<90x256xf32, #tpu.memory_space<vmem>>, vector<1x16xf32>,
      %get3A_228 = vector.shape_cast %get3A_227 : vector<1x16xf32> to vector<16xf32>
      %sub3A = arith.subf %get3A_228, %get3A_11 : vector<16xf32>
      %mul3A_229 = arith.mulf %sub3A, %sub3A : vector<16xf32>
      %add3A_230 = arith.addf %broadcast_in_dim3A_222, %mul3A_229 : vector<16xf32>
      %get3A_231 = arith.index_cast %mul3A_220 : i32 to index
      %get3A_232 = arith.constant 128 : index
      %get3A_233 = tpu.vector_load %arg7[%get3A_231, %get3A_232] {strides = array<i32>} : memref<90x256xf32, #tpu.memory_space<vmem>>, vector<1x16xf32>,
      %get3A_234 = vector.shape_cast %get3A_233 : vector<1x16xf32> to vector<16xf32>
      %sub3A_235 = arith.subf %get3A_234, %get3A_35 : vector<16xf32>
      %mul3A_236 = arith.mulf %sub3A_235, %sub3A_235 : vector<16xf32>
      %add3A_237 = arith.addf %broadcast_in_dim3A_224, %mul3A_236 : vector<16xf32>
      %get3A_238 = arith.index_cast %mul3A_220 : i32 to index
      %get3A_239 = arith.constant 16 : index
      %get3A_240 = tpu.vector_load %arg7[%get3A_238, %get3A_239] {strides = array<i32>} : memref<90x256xf32, #tpu.memory_space<vmem>>, vector<1x16xf32>,
      %get3A_241 = vector.shape_cast %get3A_240 : vector<1x16xf32> to vector<16xf32>
      %sub3A_242 = arith.subf %get3A_241, %get3A_14 : vector<16xf32>
      %mul3A_243 = arith.mulf %sub3A_242, %sub3A_242 : vector<16xf32>
      %add3A_244 = arith.addf %add3A_230, %mul3A_243 : vector<16xf32>
      %get3A_245 = arith.index_cast %mul3A_220 : i32 to index
      %get3A_246 = arith.constant 144 : index
      %get3A_247 = tpu.vector_load %arg7[%get3A_245, %get3A_246] {strides = array<i32>} : memref<90x256xf32, #tpu.memory_space<vmem>>, vector<1x16xf32>,
      %get3A_248 = vector.shape_cast %get3A_247 : vector<1x16xf32> to vector<16xf32>
      %sub3A_249 = arith.subf %get3A_248, %get3A_38 : vector<16xf32>
      %mul3A_250 = arith.mulf %sub3A_249, %sub3A_249 : vector<16xf32>
      %add3A_251 = arith.addf %add3A_237, %mul3A_250 : vector<16xf32>
      %get3A_252 = arith.index_cast %mul3A_220 : i32 to index
      %get3A_253 = arith.constant 32 : index
      %get3A_254 = tpu.vector_load %arg7[%get3A_252, %get3A_253] {strides = array<i32>} : memref<90x256xf32, #tpu.memory_space<vmem>>, vector<1x16xf32>,
      %get3A_255 = vector.shape_cast %get3A_254 : vector<1x16xf32> to vector<16xf32>
      %sub3A_256 = arith.subf %get3A_255, %get3A_17 : vector<16xf32>
      %mul3A_257 = arith.mulf %sub3A_256, %sub3A_256 : vector<16xf32>
      %add3A_258 = arith.addf %add3A_244, %mul3A_257 : vector<16xf32>
      %get3A_259 = arith.index_cast %mul3A_220 : i32 to index
      %get3A_260 = arith.constant 160 : index
      %get3A_261 = tpu.vector_load %arg7[%get3A_259, %get3A_260] {strides = array<i32>} : memref<90x256xf32, #tpu.memory_space<vmem>>, vector<1x16xf32>,
      %get3A_262 = vector.shape_cast %get3A_261 : vector<1x16xf32> to vector<16xf32>
      %sub3A_263 = arith.subf %get3A_262, %get3A_41 : vector<16xf32>
      %mul3A_264 = arith.mulf %sub3A_263, %sub3A_263 : vector<16xf32>
      %add3A_265 = arith.addf %add3A_251, %mul3A_264 : vector<16xf32>
      %get3A_266 = arith.index_cast %mul3A_220 : i32 to index
      %get3A_267 = arith.constant 48 : index
      %get3A_268 = tpu.vector_load %arg7[%get3A_266, %get3A_267] {strides = array<i32>} : memref<90x256xf32, #tpu.memory_space<vmem>>, vector<1x16xf32>,
      %get3A_269 = vector.shape_cast %get3A_268 : vector<1x16xf32> to vector<16xf32>
      %sub3A_270 = arith.subf %get3A_269, %get3A_20 : vector<16xf32>
      %mul3A_271 = arith.mulf %sub3A_270, %sub3A_270 : vector<16xf32>
      %add3A_272 = arith.addf %add3A_258, %mul3A_271 : vector<16xf32>
      %get3A_273 = arith.index_cast %mul3A_220 : i32 to index
      %get3A_274 = arith.constant 176 : index
      %get3A_275 = tpu.vector_load %arg7[%get3A_273, %get3A_274] {strides = array<i32>} : memref<90x256xf32, #tpu.memory_space<vmem>>, vector<1x16xf32>,
      %get3A_276 = vector.shape_cast %get3A_275 : vector<1x16xf32> to vector<16xf32>
      %sub3A_277 = arith.subf %get3A_276, %get3A_44 : vector<16xf32>
      %mul3A_278 = arith.mulf %sub3A_277, %sub3A_277 : vector<16xf32>
      %add3A_279 = arith.addf %add3A_265, %mul3A_278 : vector<16xf32>
      %get3A_280 = arith.index_cast %mul3A_220 : i32 to index
      %get3A_281 = arith.constant 64 : index
      %get3A_282 = tpu.vector_load %arg7[%get3A_280, %get3A_281] {strides = array<i32>} : memref<90x256xf32, #tpu.memory_space<vmem>>, vector<1x16xf32>,
      %get3A_283 = vector.shape_cast %get3A_282 : vector<1x16xf32> to vector<16xf32>
      %sub3A_284 = arith.subf %get3A_283, %get3A_23 : vector<16xf32>
      %mul3A_285 = arith.mulf %sub3A_284, %sub3A_284 : vector<16xf32>
      %add3A_286 = arith.addf %add3A_272, %mul3A_285 : vector<16xf32>
      %get3A_287 = arith.index_cast %mul3A_220 : i32 to index
      %get3A_288 = arith.constant 192 : index
      %get3A_289 = tpu.vector_load %arg7[%get3A_287, %get3A_288] {strides = array<i32>} : memref<90x256xf32, #tpu.memory_space<vmem>>, vector<1x16xf32>,
      %get3A_290 = vector.shape_cast %get3A_289 : vector<1x16xf32> to vector<16xf32>
      %sub3A_291 = arith.subf %get3A_290, %get3A_47 : vector<16xf32>
      %mul3A_292 = arith.mulf %sub3A_291, %sub3A_291 : vector<16xf32>
      %add3A_293 = arith.addf %add3A_279, %mul3A_292 : vector<16xf32>
      %get3A_294 = arith.index_cast %mul3A_220 : i32 to index
      %get3A_295 = arith.constant 80 : index
      %get3A_296 = tpu.vector_load %arg7[%get3A_294, %get3A_295] {strides = array<i32>} : memref<90x256xf32, #tpu.memory_space<vmem>>, vector<1x16xf32>,
      %get3A_297 = vector.shape_cast %get3A_296 : vector<1x16xf32> to vector<16xf32>
      %sub3A_298 = arith.subf %get3A_297, %get3A_26 : vector<16xf32>
      %mul3A_299 = arith.mulf %sub3A_298, %sub3A_298 : vector<16xf32>
      %add3A_300 = arith.addf %add3A_286, %mul3A_299 : vector<16xf32>
      %get3A_301 = arith.index_cast %mul3A_220 : i32 to index
      %get3A_302 = arith.constant 208 : index
      %get3A_303 = tpu.vector_load %arg7[%get3A_301, %get3A_302] {strides = array<i32>} : memref<90x256xf32, #tpu.memory_space<vmem>>, vector<1x16xf32>,
      %get3A_304 = vector.shape_cast %get3A_303 : vector<1x16xf32> to vector<16xf32>
      %sub3A_305 = arith.subf %get3A_304, %get3A_50 : vector<16xf32>
      %mul3A_306 = arith.mulf %sub3A_305, %sub3A_305 : vector<16xf32>
      %add3A_307 = arith.addf %add3A_293, %mul3A_306 : vector<16xf32>
      %get3A_308 = arith.index_cast %mul3A_220 : i32 to index
      %get3A_309 = arith.constant 96 : index
      %get3A_310 = tpu.vector_load %arg7[%get3A_308, %get3A_309] {strides = array<i32>} : memref<90x256xf32, #tpu.memory_space<vmem>>, vector<1x16xf32>,
      %get3A_311 = vector.shape_cast %get3A_310 : vector<1x16xf32> to vector<16xf32>
      %sub3A_312 = arith.subf %get3A_311, %get3A_29 : vector<16xf32>
      %mul3A_313 = arith.mulf %sub3A_312, %sub3A_312 : vector<16xf32>
      %add3A_314 = arith.addf %add3A_300, %mul3A_313 : vector<16xf32>
      %get3A_315 = arith.index_cast %mul3A_220 : i32 to index
      %get3A_316 = arith.constant 224 : index
      %get3A_317 = tpu.vector_load %arg7[%get3A_315, %get3A_316] {strides = array<i32>} : memref<90x256xf32, #tpu.memory_space<vmem>>, vector<1x16xf32>,
      %get3A_318 = vector.shape_cast %get3A_317 : vector<1x16xf32> to vector<16xf32>
      %sub3A_319 = arith.subf %get3A_318, %get3A_53 : vector<16xf32>
      %mul3A_320 = arith.mulf %sub3A_319, %sub3A_319 : vector<16xf32>
      %add3A_321 = arith.addf %add3A_307, %mul3A_320 : vector<16xf32>
      %get3A_322 = arith.index_cast %mul3A_220 : i32 to index
      %get3A_323 = arith.constant 112 : index
      %get3A_324 = tpu.vector_load %arg7[%get3A_322, %get3A_323] {strides = array<i32>} : memref<90x256xf32, #tpu.memory_space<vmem>>, vector<1x16xf32>,
      %get3A_325 = vector.shape_cast %get3A_324 : vector<1x16xf32> to vector<16xf32>
      %sub3A_326 = arith.subf %get3A_325, %get3A_32 : vector<16xf32>
      %mul3A_327 = arith.mulf %sub3A_326, %sub3A_326 : vector<16xf32>
      %add3A_328 = arith.addf %add3A_314, %mul3A_327 : vector<16xf32>
      %get3A_329 = arith.index_cast %mul3A_220 : i32 to index
      %get3A_330 = arith.constant 240 : index
      %get3A_331 = tpu.vector_load %arg7[%get3A_329, %get3A_330] {strides = array<i32>} : memref<90x256xf32, #tpu.memory_space<vmem>>, vector<1x16xf32>,
      %get3A_332 = vector.shape_cast %get3A_331 : vector<1x16xf32> to vector<16xf32>
      %sub3A_333 = arith.subf %get3A_332, %get3A_56 : vector<16xf32>
      %mul3A_334 = arith.mulf %sub3A_333, %sub3A_333 : vector<16xf32>
      %add3A_335 = arith.addf %add3A_321, %mul3A_334 : vector<16xf32>
      %add3A_336 = arith.addf %add3A_328, %add3A_335 : vector<16xf32>
      %add3A_337 = arith.constant 1 : i32
      %add3A_338 = arith.addi %mul3A_220, %add3A_337 : i32
      %broadcast_in_dim3A_339 = arith.constant 0.000000e+00 : f32
      %broadcast_in_dim3A_340 = vector.broadcast %broadcast_in_dim3A_339 : f32 to vector<16xf32>
      %broadcast_in_dim3A_341 = arith.constant 0.000000e+00 : f32
      %broadcast_in_dim3A_342 = vector.broadcast %broadcast_in_dim3A_341 : f32 to vector<16xf32>
      %get3A_343 = arith.index_cast %add3A_338 : i32 to index
      %get3A_344 = arith.constant 0 : index
      %get3A_345 = tpu.vector_load %arg7[%get3A_343, %get3A_344] {strides = array<i32>} : memref<90x256xf32, #tpu.memory_space<vmem>>, vector<1x16xf32>,
      %get3A_346 = vector.shape_cast %get3A_345 : vector<1x16xf32> to vector<16xf32>
      %sub3A_347 = arith.subf %get3A_346, %get3A_11 : vector<16xf32>
      %mul3A_348 = arith.mulf %sub3A_347, %sub3A_347 : vector<16xf32>
      %add3A_349 = arith.addf %broadcast_in_dim3A_340, %mul3A_348 : vector<16xf32>
      %get3A_350 = arith.index_cast %add3A_338 : i32 to index
      %get3A_351 = arith.constant 128 : index
      %get3A_352 = tpu.vector_load %arg7[%get3A_350, %get3A_351] {strides = array<i32>} : memref<90x256xf32, #tpu.memory_space<vmem>>, vector<1x16xf32>,
      %get3A_353 = vector.shape_cast %get3A_352 : vector<1x16xf32> to vector<16xf32>
      %sub3A_354 = arith.subf %get3A_353, %get3A_35 : vector<16xf32>
      %mul3A_355 = arith.mulf %sub3A_354, %sub3A_354 : vector<16xf32>
      %add3A_356 = arith.addf %broadcast_in_dim3A_342, %mul3A_355 : vector<16xf32>
      %get3A_357 = arith.index_cast %add3A_338 : i32 to index
      %get3A_358 = arith.constant 16 : index
      %get3A_359 = tpu.vector_load %arg7[%get3A_357, %get3A_358] {strides = array<i32>} : memref<90x256xf32, #tpu.memory_space<vmem>>, vector<1x16xf32>,
      %get3A_360 = vector.shape_cast %get3A_359 : vector<1x16xf32> to vector<16xf32>
      %sub3A_361 = arith.subf %get3A_360, %get3A_14 : vector<16xf32>
      %mul3A_362 = arith.mulf %sub3A_361, %sub3A_361 : vector<16xf32>
      %add3A_363 = arith.addf %add3A_349, %mul3A_362 : vector<16xf32>
      %get3A_364 = arith.index_cast %add3A_338 : i32 to index
      %get3A_365 = arith.constant 144 : index
      %get3A_366 = tpu.vector_load %arg7[%get3A_364, %get3A_365] {strides = array<i32>} : memref<90x256xf32, #tpu.memory_space<vmem>>, vector<1x16xf32>,
      %get3A_367 = vector.shape_cast %get3A_366 : vector<1x16xf32> to vector<16xf32>
      %sub3A_368 = arith.subf %get3A_367, %get3A_38 : vector<16xf32>
      %mul3A_369 = arith.mulf %sub3A_368, %sub3A_368 : vector<16xf32>
      %add3A_370 = arith.addf %add3A_356, %mul3A_369 : vector<16xf32>
      %get3A_371 = arith.index_cast %add3A_338 : i32 to index
      %get3A_372 = arith.constant 32 : index
      %get3A_373 = tpu.vector_load %arg7[%get3A_371, %get3A_372] {strides = array<i32>} : memref<90x256xf32, #tpu.memory_space<vmem>>, vector<1x16xf32>,
      %get3A_374 = vector.shape_cast %get3A_373 : vector<1x16xf32> to vector<16xf32>
      %sub3A_375 = arith.subf %get3A_374, %get3A_17 : vector<16xf32>
      %mul3A_376 = arith.mulf %sub3A_375, %sub3A_375 : vector<16xf32>
      %add3A_377 = arith.addf %add3A_363, %mul3A_376 : vector<16xf32>
      %get3A_378 = arith.index_cast %add3A_338 : i32 to index
      %get3A_379 = arith.constant 160 : index
      %get3A_380 = tpu.vector_load %arg7[%get3A_378, %get3A_379] {strides = array<i32>} : memref<90x256xf32, #tpu.memory_space<vmem>>, vector<1x16xf32>,
      %get3A_381 = vector.shape_cast %get3A_380 : vector<1x16xf32> to vector<16xf32>
      %sub3A_382 = arith.subf %get3A_381, %get3A_41 : vector<16xf32>
      %mul3A_383 = arith.mulf %sub3A_382, %sub3A_382 : vector<16xf32>
      %add3A_384 = arith.addf %add3A_370, %mul3A_383 : vector<16xf32>
      %get3A_385 = arith.index_cast %add3A_338 : i32 to index
      %get3A_386 = arith.constant 48 : index
      %get3A_387 = tpu.vector_load %arg7[%get3A_385, %get3A_386] {strides = array<i32>} : memref<90x256xf32, #tpu.memory_space<vmem>>, vector<1x16xf32>,
      %get3A_388 = vector.shape_cast %get3A_387 : vector<1x16xf32> to vector<16xf32>
      %sub3A_389 = arith.subf %get3A_388, %get3A_20 : vector<16xf32>
      %mul3A_390 = arith.mulf %sub3A_389, %sub3A_389 : vector<16xf32>
      %add3A_391 = arith.addf %add3A_377, %mul3A_390 : vector<16xf32>
      %get3A_392 = arith.index_cast %add3A_338 : i32 to index
      %get3A_393 = arith.constant 176 : index
      %get3A_394 = tpu.vector_load %arg7[%get3A_392, %get3A_393] {strides = array<i32>} : memref<90x256xf32, #tpu.memory_space<vmem>>, vector<1x16xf32>,
      %get3A_395 = vector.shape_cast %get3A_394 : vector<1x16xf32> to vector<16xf32>
      %sub3A_396 = arith.subf %get3A_395, %get3A_44 : vector<16xf32>
      %mul3A_397 = arith.mulf %sub3A_396, %sub3A_396 : vector<16xf32>
      %add3A_398 = arith.addf %add3A_384, %mul3A_397 : vector<16xf32>
      %get3A_399 = arith.index_cast %add3A_338 : i32 to index
      %get3A_400 = arith.constant 64 : index
      %get3A_401 = tpu.vector_load %arg7[%get3A_399, %get3A_400] {strides = array<i32>} : memref<90x256xf32, #tpu.memory_space<vmem>>, vector<1x16xf32>,
      %get3A_402 = vector.shape_cast %get3A_401 : vector<1x16xf32> to vector<16xf32>
      %sub3A_403 = arith.subf %get3A_402, %get3A_23 : vector<16xf32>
      %mul3A_404 = arith.mulf %sub3A_403, %sub3A_403 : vector<16xf32>
      %add3A_405 = arith.addf %add3A_391, %mul3A_404 : vector<16xf32>
      %get3A_406 = arith.index_cast %add3A_338 : i32 to index
      %get3A_407 = arith.constant 192 : index
      %get3A_408 = tpu.vector_load %arg7[%get3A_406, %get3A_407] {strides = array<i32>} : memref<90x256xf32, #tpu.memory_space<vmem>>, vector<1x16xf32>,
      %get3A_409 = vector.shape_cast %get3A_408 : vector<1x16xf32> to vector<16xf32>
      %sub3A_410 = arith.subf %get3A_409, %get3A_47 : vector<16xf32>
      %mul3A_411 = arith.mulf %sub3A_410, %sub3A_410 : vector<16xf32>
      %add3A_412 = arith.addf %add3A_398, %mul3A_411 : vector<16xf32>
      %get3A_413 = arith.index_cast %add3A_338 : i32 to index
      %get3A_414 = arith.constant 80 : index
      %get3A_415 = tpu.vector_load %arg7[%get3A_413, %get3A_414] {strides = array<i32>} : memref<90x256xf32, #tpu.memory_space<vmem>>, vector<1x16xf32>,
      %get3A_416 = vector.shape_cast %get3A_415 : vector<1x16xf32> to vector<16xf32>
      %sub3A_417 = arith.subf %get3A_416, %get3A_26 : vector<16xf32>
      %mul3A_418 = arith.mulf %sub3A_417, %sub3A_417 : vector<16xf32>
      %add3A_419 = arith.addf %add3A_405, %mul3A_418 : vector<16xf32>
      %get3A_420 = arith.index_cast %add3A_338 : i32 to index
      %get3A_421 = arith.constant 208 : index
      %get3A_422 = tpu.vector_load %arg7[%get3A_420, %get3A_421] {strides = array<i32>} : memref<90x256xf32, #tpu.memory_space<vmem>>, vector<1x16xf32>,
      %get3A_423 = vector.shape_cast %get3A_422 : vector<1x16xf32> to vector<16xf32>
      %sub3A_424 = arith.subf %get3A_423, %get3A_50 : vector<16xf32>
      %mul3A_425 = arith.mulf %sub3A_424, %sub3A_424 : vector<16xf32>
      %add3A_426 = arith.addf %add3A_412, %mul3A_425 : vector<16xf32>
      %get3A_427 = arith.index_cast %add3A_338 : i32 to index
      %get3A_428 = arith.constant 96 : index
      %get3A_429 = tpu.vector_load %arg7[%get3A_427, %get3A_428] {strides = array<i32>} : memref<90x256xf32, #tpu.memory_space<vmem>>, vector<1x16xf32>,
      %get3A_430 = vector.shape_cast %get3A_429 : vector<1x16xf32> to vector<16xf32>
      %sub3A_431 = arith.subf %get3A_430, %get3A_29 : vector<16xf32>
      %mul3A_432 = arith.mulf %sub3A_431, %sub3A_431 : vector<16xf32>
      %add3A_433 = arith.addf %add3A_419, %mul3A_432 : vector<16xf32>
      %get3A_434 = arith.index_cast %add3A_338 : i32 to index
      %get3A_435 = arith.constant 224 : index
      %get3A_436 = tpu.vector_load %arg7[%get3A_434, %get3A_435] {strides = array<i32>} : memref<90x256xf32, #tpu.memory_space<vmem>>, vector<1x16xf32>,
      %get3A_437 = vector.shape_cast %get3A_436 : vector<1x16xf32> to vector<16xf32>
      %sub3A_438 = arith.subf %get3A_437, %get3A_53 : vector<16xf32>
      %mul3A_439 = arith.mulf %sub3A_438, %sub3A_438 : vector<16xf32>
      %add3A_440 = arith.addf %add3A_426, %mul3A_439 : vector<16xf32>
      %get3A_441 = arith.index_cast %add3A_338 : i32 to index
      %get3A_442 = arith.constant 112 : index
      %get3A_443 = tpu.vector_load %arg7[%get3A_441, %get3A_442] {strides = array<i32>} : memref<90x256xf32, #tpu.memory_space<vmem>>, vector<1x16xf32>,
      %get3A_444 = vector.shape_cast %get3A_443 : vector<1x16xf32> to vector<16xf32>
      %sub3A_445 = arith.subf %get3A_444, %get3A_32 : vector<16xf32>
      %mul3A_446 = arith.mulf %sub3A_445, %sub3A_445 : vector<16xf32>
      %add3A_447 = arith.addf %add3A_433, %mul3A_446 : vector<16xf32>
      %get3A_448 = arith.index_cast %add3A_338 : i32 to index
      %get3A_449 = arith.constant 240 : index
      %get3A_450 = tpu.vector_load %arg7[%get3A_448, %get3A_449] {strides = array<i32>} : memref<90x256xf32, #tpu.memory_space<vmem>>, vector<1x16xf32>,
      %get3A_451 = vector.shape_cast %get3A_450 : vector<1x16xf32> to vector<16xf32>
      %sub3A_452 = arith.subf %get3A_451, %get3A_56 : vector<16xf32>
      %mul3A_453 = arith.mulf %sub3A_452, %sub3A_452 : vector<16xf32>
      %add3A_454 = arith.addf %add3A_440, %mul3A_453 : vector<16xf32>
      %add3A_455 = arith.addf %add3A_447, %add3A_454 : vector<16xf32>
      %and3A_456 = arith.constant 8 : i32
      %and3A_457 = vector.broadcast %and3A_456 : i32 to vector<16xi32>
      %and3A_458 = arith.andi %iota3A, %and3A_457 : vector<16xi32>
      %eq3A_459 = arith.constant 0 : i32
      %eq3A_460 = vector.broadcast %eq3A_459 : i32 to vector<16xi32>
      %eq3A_461 = arith.cmpi eq, %and3A_458, %eq3A_460 : vector<16xi32>
      %xor3A_462 = arith.constant 8 : i32
      %xor3A_463 = vector.broadcast %xor3A_462 : i32 to vector<16xi32>
      %xor3A_464 = arith.xori %iota3A, %xor3A_463 : vector<16xi32>
      %lt3A_465 = arith.constant 0 : i32
      %lt3A_466 = vector.broadcast %lt3A_465 : i32 to vector<16xi32>
      %lt3A_467 = arith.cmpi slt, %xor3A_464, %lt3A_466 : vector<16xi32>
      %add3A_468 = arith.constant 16 : i32
      %add3A_469 = vector.broadcast %add3A_468 : i32 to vector<16xi32>
      %add3A_470 = arith.addi %xor3A_464, %add3A_469 : vector<16xi32>
      %select_n3A_471 = arith.select %lt3A_467, %add3A_470, %xor3A_464 : vector<16xi1>, vector<16xi32>
      %broadcast_in_dim3A_472 = vector.shape_cast %select_n3A_471 : vector<16xi32> to vector<16x1xi32>
      %gather3A_473 = vector.shape_cast %broadcast_in_dim3A_472 : vector<16x1xi32> to vector<16xi32>
      %gather3A_474 = tpu.dynamic_gather %add3A_336[%gather3A_473] in [0] : vector<16xf32>, vector<16xi32> -> vector<16xf32>
      %add3A_475 = arith.addf %add3A_336, %gather3A_474 : vector<16xf32>
      %xor3A_476 = arith.constant 8 : i32
      %xor3A_477 = vector.broadcast %xor3A_476 : i32 to vector<16xi32>
      %xor3A_478 = arith.xori %iota3A, %xor3A_477 : vector<16xi32>
      %lt3A_479 = arith.constant 0 : i32
      %lt3A_480 = vector.broadcast %lt3A_479 : i32 to vector<16xi32>
      %lt3A_481 = arith.cmpi slt, %xor3A_478, %lt3A_480 : vector<16xi32>
      %add3A_482 = arith.constant 16 : i32
      %add3A_483 = vector.broadcast %add3A_482 : i32 to vector<16xi32>
      %add3A_484 = arith.addi %xor3A_478, %add3A_483 : vector<16xi32>
      %select_n3A_485 = arith.select %lt3A_481, %add3A_484, %xor3A_478 : vector<16xi1>, vector<16xi32>
      %broadcast_in_dim3A_486 = vector.shape_cast %select_n3A_485 : vector<16xi32> to vector<16x1xi32>
      %gather3A_487 = vector.shape_cast %broadcast_in_dim3A_486 : vector<16x1xi32> to vector<16xi32>
      %gather3A_488 = tpu.dynamic_gather %add3A_455[%gather3A_487] in [0] : vector<16xf32>, vector<16xi32> -> vector<16xf32>
      %add3A_489 = arith.addf %add3A_455, %gather3A_488 : vector<16xf32>
      %select_n3A_490 = arith.select %eq3A_461, %add3A_475, %add3A_489 : vector<16xi1>, vector<16xf32>
      %xor3A_491 = arith.constant 4 : i32
      %xor3A_492 = vector.broadcast %xor3A_491 : i32 to vector<16xi32>
      %xor3A_493 = arith.xori %iota3A, %xor3A_492 : vector<16xi32>
      %lt3A_494 = arith.constant 0 : i32
      %lt3A_495 = vector.broadcast %lt3A_494 : i32 to vector<16xi32>
      %lt3A_496 = arith.cmpi slt, %xor3A_493, %lt3A_495 : vector<16xi32>
      %add3A_497 = arith.constant 16 : i32
      %add3A_498 = vector.broadcast %add3A_497 : i32 to vector<16xi32>
      %add3A_499 = arith.addi %xor3A_493, %add3A_498 : vector<16xi32>
      %select_n3A_500 = arith.select %lt3A_496, %add3A_499, %xor3A_493 : vector<16xi1>, vector<16xi32>
      %broadcast_in_dim3A_501 = vector.shape_cast %select_n3A_500 : vector<16xi32> to vector<16x1xi32>
      %gather3A_502 = vector.shape_cast %broadcast_in_dim3A_501 : vector<16x1xi32> to vector<16xi32>
      %gather3A_503 = tpu.dynamic_gather %select_n3A_490[%gather3A_502] in [0] : vector<16xf32>, vector<16xi32> -> vector<16xf32>
      %add3A_504 = arith.addf %select_n3A_490, %gather3A_503 : vector<16xf32>
      %xor3A_505 = arith.constant 2 : i32
      %xor3A_506 = vector.broadcast %xor3A_505 : i32 to vector<16xi32>
      %xor3A_507 = arith.xori %iota3A, %xor3A_506 : vector<16xi32>
      %lt3A_508 = arith.constant 0 : i32
      %lt3A_509 = vector.broadcast %lt3A_508 : i32 to vector<16xi32>
      %lt3A_510 = arith.cmpi slt, %xor3A_507, %lt3A_509 : vector<16xi32>
      %add3A_511 = arith.constant 16 : i32
      %add3A_512 = vector.broadcast %add3A_511 : i32 to vector<16xi32>
      %add3A_513 = arith.addi %xor3A_507, %add3A_512 : vector<16xi32>
      %select_n3A_514 = arith.select %lt3A_510, %add3A_513, %xor3A_507 : vector<16xi1>, vector<16xi32>
      %broadcast_in_dim3A_515 = vector.shape_cast %select_n3A_514 : vector<16xi32> to vector<16x1xi32>
      %gather3A_516 = vector.shape_cast %broadcast_in_dim3A_515 : vector<16x1xi32> to vector<16xi32>
      %gather3A_517 = tpu.dynamic_gather %add3A_504[%gather3A_516] in [0] : vector<16xf32>, vector<16xi32> -> vector<16xf32>
      %add3A_518 = arith.addf %add3A_504, %gather3A_517 : vector<16xf32>
      %xor3A_519 = arith.constant 1 : i32
      %xor3A_520 = vector.broadcast %xor3A_519 : i32 to vector<16xi32>
      %xor3A_521 = arith.xori %iota3A, %xor3A_520 : vector<16xi32>
      %lt3A_522 = arith.constant 0 : i32
      %lt3A_523 = vector.broadcast %lt3A_522 : i32 to vector<16xi32>
      %lt3A_524 = arith.cmpi slt, %xor3A_521, %lt3A_523 : vector<16xi32>
      %add3A_525 = arith.constant 16 : i32
      %add3A_526 = vector.broadcast %add3A_525 : i32 to vector<16xi32>
      %add3A_527 = arith.addi %xor3A_521, %add3A_526 : vector<16xi32>
      %select_n3A_528 = arith.select %lt3A_524, %add3A_527, %xor3A_521 : vector<16xi1>, vector<16xi32>
      %broadcast_in_dim3A_529 = vector.shape_cast %select_n3A_528 : vector<16xi32> to vector<16x1xi32>
      %gather3A_530 = vector.shape_cast %broadcast_in_dim3A_529 : vector<16x1xi32> to vector<16xi32>
      %gather3A_531 = tpu.dynamic_gather %add3A_518[%gather3A_530] in [0] : vector<16xf32>, vector<16xi32> -> vector<16xf32>
      %add3A_532 = arith.addf %add3A_518, %gather3A_531 : vector<16xf32>
      %add3A_533 = arith.addi %mul3A_72, %mul3A_220 : i32
      %add3A_534 = vector.broadcast %add3A_533 : i32 to vector<16xi32>
      %add3A_535 = arith.addi %add3A_534, %and3A_63 : vector<16xi32>
      %lt3A_536 = arith.cmpf olt, %add3A_532, %scan3A_217 : vector<16xf32>
      %select_n3A_537 = arith.select %lt3A_536, %add3A_532, %scan3A_217 : vector<16xi1>, vector<16xf32>
      %select_n3A_538 = arith.select %lt3A_536, %add3A_535, %scan3A_218 : vector<16xi1>, vector<16xi32>
      scf.yield %select_n3A_537, %select_n3A_538 : vector<16xf32>, vector<16xi32>
    }
    %scan3A_77 = arith.constant 45 : i32
    %xor3A = arith.constant 8 : i32
    %xor3A_78 = vector.broadcast %xor3A : i32 to vector<16xi32>
    %xor3A_79 = arith.xori %iota3A, %xor3A_78 : vector<16xi32>
    %lt3A = arith.constant 0 : i32
    %lt3A_80 = vector.broadcast %lt3A : i32 to vector<16xi32>
    %lt3A_81 = arith.cmpi slt, %xor3A_79, %lt3A_80 : vector<16xi32>
    %add3A_82 = arith.constant 16 : i32
    %add3A_83 = vector.broadcast %add3A_82 : i32 to vector<16xi32>
    %add3A_84 = arith.addi %xor3A_79, %add3A_83 : vector<16xi32>
    %select_n3A = arith.select %lt3A_81, %add3A_84, %xor3A_79 : vector<16xi1>, vector<16xi32>
    %broadcast_in_dim3A_85 = vector.shape_cast %select_n3A : vector<16xi32> to vector<16x1xi32>
    %gather3A = vector.shape_cast %broadcast_in_dim3A_85 : vector<16x1xi32> to vector<16xi32>
    %gather3A_86 = tpu.dynamic_gather %scan3A_76#0[%gather3A] in [0] : vector<16xf32>, vector<16xi32> -> vector<16xf32>
    %xor3A_87 = arith.constant 8 : i32
    %xor3A_88 = vector.broadcast %xor3A_87 : i32 to vector<16xi32>
    %xor3A_89 = arith.xori %iota3A, %xor3A_88 : vector<16xi32>
    %lt3A_90 = arith.constant 0 : i32
    %lt3A_91 = vector.broadcast %lt3A_90 : i32 to vector<16xi32>
    %lt3A_92 = arith.cmpi slt, %xor3A_89, %lt3A_91 : vector<16xi32>
    %add3A_93 = arith.constant 16 : i32
    %add3A_94 = vector.broadcast %add3A_93 : i32 to vector<16xi32>
    %add3A_95 = arith.addi %xor3A_89, %add3A_94 : vector<16xi32>
    %select_n3A_96 = arith.select %lt3A_92, %add3A_95, %xor3A_89 : vector<16xi1>, vector<16xi32>
    %broadcast_in_dim3A_97 = vector.shape_cast %select_n3A_96 : vector<16xi32> to vector<16x1xi32>
    %gather3A_98 = vector.shape_cast %broadcast_in_dim3A_97 : vector<16x1xi32> to vector<16xi32>
    %gather3A_99 = tpu.dynamic_gather %scan3A_76#1[%gather3A_98] in [0] : vector<16xi32>, vector<16xi32> -> vector<16xi32>
    %lt3A_100 = arith.cmpf olt, %gather3A_86, %scan3A_76#0 : vector<16xf32>
    %eq3A = arith.cmpf oeq, %gather3A_86, %scan3A_76#0 : vector<16xf32>
    %lt3A_101 = arith.cmpi slt, %gather3A_99, %scan3A_76#1 : vector<16xi32>
    %and3A_102 = arith.andi %eq3A, %lt3A_101 : vector<16xi1>
    %or3A = arith.ori %lt3A_100, %and3A_102 : vector<16xi1>
    %select_n3A_103 = arith.select %or3A, %gather3A_86, %scan3A_76#0 : vector<16xi1>, vector<16xf32>
    %select_n3A_104 = arith.select %or3A, %gather3A_99, %scan3A_76#1 : vector<16xi1>, vector<16xi32>
    %xor3A_105 = arith.constant 4 : i32
    %xor3A_106 = vector.broadcast %xor3A_105 : i32 to vector<16xi32>
    %xor3A_107 = arith.xori %iota3A, %xor3A_106 : vector<16xi32>
    %lt3A_108 = arith.constant 0 : i32
    %lt3A_109 = vector.broadcast %lt3A_108 : i32 to vector<16xi32>
    %lt3A_110 = arith.cmpi slt, %xor3A_107, %lt3A_109 : vector<16xi32>
    %add3A_111 = arith.constant 16 : i32
    %add3A_112 = vector.broadcast %add3A_111 : i32 to vector<16xi32>
    %add3A_113 = arith.addi %xor3A_107, %add3A_112 : vector<16xi32>
    %select_n3A_114 = arith.select %lt3A_110, %add3A_113, %xor3A_107 : vector<16xi1>, vector<16xi32>
    %broadcast_in_dim3A_115 = vector.shape_cast %select_n3A_114 : vector<16xi32> to vector<16x1xi32>
    %gather3A_116 = vector.shape_cast %broadcast_in_dim3A_115 : vector<16x1xi32> to vector<16xi32>
    %gather3A_117 = tpu.dynamic_gather %select_n3A_103[%gather3A_116] in [0] : vector<16xf32>, vector<16xi32> -> vector<16xf32>
    %xor3A_118 = arith.constant 4 : i32
    %xor3A_119 = vector.broadcast %xor3A_118 : i32 to vector<16xi32>
    %xor3A_120 = arith.xori %iota3A, %xor3A_119 : vector<16xi32>
    %lt3A_121 = arith.constant 0 : i32
    %lt3A_122 = vector.broadcast %lt3A_121 : i32 to vector<16xi32>
    %lt3A_123 = arith.cmpi slt, %xor3A_120, %lt3A_122 : vector<16xi32>
    %add3A_124 = arith.constant 16 : i32
    %add3A_125 = vector.broadcast %add3A_124 : i32 to vector<16xi32>
    %add3A_126 = arith.addi %xor3A_120, %add3A_125 : vector<16xi32>
    %select_n3A_127 = arith.select %lt3A_123, %add3A_126, %xor3A_120 : vector<16xi1>, vector<16xi32>
    %broadcast_in_dim3A_128 = vector.shape_cast %select_n3A_127 : vector<16xi32> to vector<16x1xi32>
    %gather3A_129 = vector.shape_cast %broadcast_in_dim3A_128 : vector<16x1xi32> to vector<16xi32>
    %gather3A_130 = tpu.dynamic_gather %select_n3A_104[%gather3A_129] in [0] : vector<16xi32>, vector<16xi32> -> vector<16xi32>
    %lt3A_131 = arith.cmpf olt, %gather3A_117, %select_n3A_103 : vector<16xf32>
    %eq3A_132 = arith.cmpf oeq, %gather3A_117, %select_n3A_103 : vector<16xf32>
    %lt3A_133 = arith.cmpi slt, %gather3A_130, %select_n3A_104 : vector<16xi32>
    %and3A_134 = arith.andi %eq3A_132, %lt3A_133 : vector<16xi1>
    %or3A_135 = arith.ori %lt3A_131, %and3A_134 : vector<16xi1>
    %select_n3A_136 = arith.select %or3A_135, %gather3A_117, %select_n3A_103 : vector<16xi1>, vector<16xf32>
    %select_n3A_137 = arith.select %or3A_135, %gather3A_130, %select_n3A_104 : vector<16xi1>, vector<16xi32>
    %xor3A_138 = arith.constant 2 : i32
    %xor3A_139 = vector.broadcast %xor3A_138 : i32 to vector<16xi32>
    %xor3A_140 = arith.xori %iota3A, %xor3A_139 : vector<16xi32>
    %lt3A_141 = arith.constant 0 : i32
    %lt3A_142 = vector.broadcast %lt3A_141 : i32 to vector<16xi32>
    %lt3A_143 = arith.cmpi slt, %xor3A_140, %lt3A_142 : vector<16xi32>
    %add3A_144 = arith.constant 16 : i32
    %add3A_145 = vector.broadcast %add3A_144 : i32 to vector<16xi32>
    %add3A_146 = arith.addi %xor3A_140, %add3A_145 : vector<16xi32>
    %select_n3A_147 = arith.select %lt3A_143, %add3A_146, %xor3A_140 : vector<16xi1>, vector<16xi32>
    %broadcast_in_dim3A_148 = vector.shape_cast %select_n3A_147 : vector<16xi32> to vector<16x1xi32>
    %gather3A_149 = vector.shape_cast %broadcast_in_dim3A_148 : vector<16x1xi32> to vector<16xi32>
    %gather3A_150 = tpu.dynamic_gather %select_n3A_136[%gather3A_149] in [0] : vector<16xf32>, vector<16xi32> -> vector<16xf32>
    %xor3A_151 = arith.constant 2 : i32
    %xor3A_152 = vector.broadcast %xor3A_151 : i32 to vector<16xi32>
    %xor3A_153 = arith.xori %iota3A, %xor3A_152 : vector<16xi32>
    %lt3A_154 = arith.constant 0 : i32
    %lt3A_155 = vector.broadcast %lt3A_154 : i32 to vector<16xi32>
    %lt3A_156 = arith.cmpi slt, %xor3A_153, %lt3A_155 : vector<16xi32>
    %add3A_157 = arith.constant 16 : i32
    %add3A_158 = vector.broadcast %add3A_157 : i32 to vector<16xi32>
    %add3A_159 = arith.addi %xor3A_153, %add3A_158 : vector<16xi32>
    %select_n3A_160 = arith.select %lt3A_156, %add3A_159, %xor3A_153 : vector<16xi1>, vector<16xi32>
    %broadcast_in_dim3A_161 = vector.shape_cast %select_n3A_160 : vector<16xi32> to vector<16x1xi32>
    %gather3A_162 = vector.shape_cast %broadcast_in_dim3A_161 : vector<16x1xi32> to vector<16xi32>
    %gather3A_163 = tpu.dynamic_gather %select_n3A_137[%gather3A_162] in [0] : vector<16xi32>, vector<16xi32> -> vector<16xi32>
    %lt3A_164 = arith.cmpf olt, %gather3A_150, %select_n3A_136 : vector<16xf32>
    %eq3A_165 = arith.cmpf oeq, %gather3A_150, %select_n3A_136 : vector<16xf32>
    %lt3A_166 = arith.cmpi slt, %gather3A_163, %select_n3A_137 : vector<16xi32>
    %and3A_167 = arith.andi %eq3A_165, %lt3A_166 : vector<16xi1>
    %or3A_168 = arith.ori %lt3A_164, %and3A_167 : vector<16xi1>
    %select_n3A_169 = arith.select %or3A_168, %gather3A_150, %select_n3A_136 : vector<16xi1>, vector<16xf32>
    %select_n3A_170 = arith.select %or3A_168, %gather3A_163, %select_n3A_137 : vector<16xi1>, vector<16xi32>
    %xor3A_171 = arith.constant 1 : i32
    %xor3A_172 = vector.broadcast %xor3A_171 : i32 to vector<16xi32>
    %xor3A_173 = arith.xori %iota3A, %xor3A_172 : vector<16xi32>
    %lt3A_174 = arith.constant 0 : i32
    %lt3A_175 = vector.broadcast %lt3A_174 : i32 to vector<16xi32>
    %lt3A_176 = arith.cmpi slt, %xor3A_173, %lt3A_175 : vector<16xi32>
    %add3A_177 = arith.constant 16 : i32
    %add3A_178 = vector.broadcast %add3A_177 : i32 to vector<16xi32>
    %add3A_179 = arith.addi %xor3A_173, %add3A_178 : vector<16xi32>
    %select_n3A_180 = arith.select %lt3A_176, %add3A_179, %xor3A_173 : vector<16xi1>, vector<16xi32>
    %broadcast_in_dim3A_181 = vector.shape_cast %select_n3A_180 : vector<16xi32> to vector<16x1xi32>
    %gather3A_182 = vector.shape_cast %broadcast_in_dim3A_181 : vector<16x1xi32> to vector<16xi32>
    %gather3A_183 = tpu.dynamic_gather %select_n3A_169[%gather3A_182] in [0] : vector<16xf32>, vector<16xi32> -> vector<16xf32>
    %xor3A_184 = arith.constant 1 : i32
    %xor3A_185 = vector.broadcast %xor3A_184 : i32 to vector<16xi32>
    %xor3A_186 = arith.xori %iota3A, %xor3A_185 : vector<16xi32>
    %lt3A_187 = arith.constant 0 : i32
    %lt3A_188 = vector.broadcast %lt3A_187 : i32 to vector<16xi32>
    %lt3A_189 = arith.cmpi slt, %xor3A_186, %lt3A_188 : vector<16xi32>
    %add3A_190 = arith.constant 16 : i32
    %add3A_191 = vector.broadcast %add3A_190 : i32 to vector<16xi32>
    %add3A_192 = arith.addi %xor3A_186, %add3A_191 : vector<16xi32>
    %select_n3A_193 = arith.select %lt3A_189, %add3A_192, %xor3A_186 : vector<16xi1>, vector<16xi32>
    %broadcast_in_dim3A_194 = vector.shape_cast %select_n3A_193 : vector<16xi32> to vector<16x1xi32>
    %gather3A_195 = vector.shape_cast %broadcast_in_dim3A_194 : vector<16x1xi32> to vector<16xi32>
    %gather3A_196 = tpu.dynamic_gather %select_n3A_170[%gather3A_195] in [0] : vector<16xi32>, vector<16xi32> -> vector<16xi32>
    %lt3A_197 = arith.cmpf olt, %gather3A_183, %select_n3A_169 : vector<16xf32>
    %eq3A_198 = arith.cmpf oeq, %gather3A_183, %select_n3A_169 : vector<16xf32>
    %lt3A_199 = arith.cmpi slt, %gather3A_196, %select_n3A_170 : vector<16xi32>
    %and3A_200 = arith.andi %eq3A_198, %lt3A_199 : vector<16xi1>
    %or3A_201 = arith.ori %lt3A_197, %and3A_200 : vector<16xi1>
    %select_n3A_202 = arith.select %or3A_201, %gather3A_183, %select_n3A_169 : vector<16xi1>, vector<16xf32>
    %select_n3A_203 = arith.select %or3A_201, %gather3A_196, %select_n3A_170 : vector<16xi1>, vector<16xi32>
    %swap3A = arith.constant 0 : index
    %swap3A_204 = tpu.vector_load %arg8[%swap3A] {strides = array<i32>} : memref<16xf32, #tpu.memory_space<vmem>>, vector<16xf32>,
    %swap3A_205 = vector.shape_cast %swap3A_204 : vector<16xf32> to vector<16xf32>
    %swap3A_206 = vector.shape_cast %select_n3A_202 : vector<16xf32> to vector<16xf32>
    tpu.vector_store %arg8[%swap3A], %swap3A_206 {strides = array<i32>} : memref<16xf32, #tpu.memory_space<vmem>>, vector<16xf32>,
    %swap3A_207 = arith.constant 0 : index
    %swap3A_208 = tpu.vector_load %arg9[%swap3A_207] {strides = array<i32>} : memref<16xi32, #tpu.memory_space<vmem>>, vector<16xi32>,
    %swap3A_209 = vector.shape_cast %swap3A_208 : vector<16xi32> to vector<16xi32>
    %swap3A_210 = vector.shape_cast %select_n3A_203 : vector<16xi32> to vector<16xi32>
    tpu.vector_store %arg9[%swap3A_207], %swap3A_210 {strides = array<i32>} : memref<16xi32, #tpu.memory_space<vmem>>, vector<16xi32>,
    %mul3A_211 = arith.constant 16 : i32
    %mul3A_212 = arith.muli %arg1, %mul3A_211 : i32
    %multiple_of3A = tpu.assume_multiple %mul3A_212, 16 : i32
    "tpu.region"() ({
      %run_scoped3A = tpu.sem_alloc : memref<!tpu.dma_semaphore, #tpu.memory_space<semaphore_mem>>
      %dma_start3A_216 = tpu.memref_slice %arg12[%multiple_of3A] : memref<256xf32, #tpu.memory_space<vmem_shared>> -> memref<16xf32, #tpu.memory_space<vmem_shared>>
      %dma_start3A_217 = tpu.memref_slice %arg12[%multiple_of3A] : memref<256xf32, #tpu.memory_space<vmem_shared>> -> memref<16xf32, #tpu.memory_space<vmem_shared>>
      tpu.enqueue_dma source(%arg8 : memref<16xf32, #tpu.memory_space<vmem>>) target(%dma_start3A_217 : memref<16xf32, #tpu.memory_space<vmem_shared>>) target_semaphore(%run_scoped3A : memref<!tpu.dma_semaphore, #tpu.memory_space<semaphore_mem>>)
      %dma_wait3A_218 = tpu.memref_slice %arg12[%multiple_of3A] : memref<256xf32, #tpu.memory_space<vmem_shared>> -> memref<16xf32, #tpu.memory_space<vmem_shared>>
      %dma_wait3A_219 = tpu.memref_slice %arg12[%multiple_of3A] : memref<256xf32, #tpu.memory_space<vmem_shared>> -> memref<16xf32, #tpu.memory_space<vmem_shared>>
      tpu.wait_dma2 semaphore(%run_scoped3A : memref<!tpu.dma_semaphore, #tpu.memory_space<semaphore_mem>>) src(%arg8 : memref<16xf32, #tpu.memory_space<vmem>>) dst(%dma_wait3A_219 : memref<16xf32, #tpu.memory_space<vmem_shared>>)
      tpu.yield
    }) : () -> ()
    "tpu.region"() ({
      %run_scoped3A = tpu.sem_alloc : memref<!tpu.dma_semaphore, #tpu.memory_space<semaphore_mem>>
      %dma_start3A_216 = tpu.memref_slice %arg13[%multiple_of3A] : memref<256xi32, #tpu.memory_space<vmem_shared>> -> memref<16xi32, #tpu.memory_space<vmem_shared>>
      %dma_start3A_217 = tpu.memref_slice %arg13[%multiple_of3A] : memref<256xi32, #tpu.memory_space<vmem_shared>> -> memref<16xi32, #tpu.memory_space<vmem_shared>>
      tpu.enqueue_dma source(%arg9 : memref<16xi32, #tpu.memory_space<vmem>>) target(%dma_start3A_217 : memref<16xi32, #tpu.memory_space<vmem_shared>>) target_semaphore(%run_scoped3A : memref<!tpu.dma_semaphore, #tpu.memory_space<semaphore_mem>>)
      %dma_wait3A_218 = tpu.memref_slice %arg13[%multiple_of3A] : memref<256xi32, #tpu.memory_space<vmem_shared>> -> memref<16xi32, #tpu.memory_space<vmem_shared>>
      %dma_wait3A_219 = tpu.memref_slice %arg13[%multiple_of3A] : memref<256xi32, #tpu.memory_space<vmem_shared>> -> memref<16xi32, #tpu.memory_space<vmem_shared>>
      tpu.wait_dma2 semaphore(%run_scoped3A : memref<!tpu.dma_semaphore, #tpu.memory_space<semaphore_mem>>) src(%arg9 : memref<16xi32, #tpu.memory_space<vmem>>) dst(%dma_wait3A_219 : memref<16xi32, #tpu.memory_space<vmem_shared>>)
      tpu.yield
    }) : () -> ()
    %barrier3A = arith.constant 0 : index
    tpu.barrier barrier_id(%barrier3A)
    %eq3A_213 = arith.constant 0 : i32
    %eq3A_214 = arith.cmpi eq, %arg1, %eq3A_213 : i32
    %convert_element_type3A = arith.extui %eq3A_214 : i1 to i32
    %cond3A = arith.constant 0 : i32
    %cond3A_215 = arith.cmpi ne, %convert_element_type3A, %cond3A : i32
    scf.if %cond3A_215 {
      "tpu.region"() ({
        %run_scoped3A = tpu.sem_alloc : memref<!tpu.dma_semaphore, #tpu.memory_space<semaphore_mem>>
        tpu.enqueue_dma source(%arg12 : memref<256xf32, #tpu.memory_space<vmem_shared>>) target(%arg10 : memref<256xf32, #tpu.memory_space<vmem>>) target_semaphore(%run_scoped3A : memref<!tpu.dma_semaphore, #tpu.memory_space<semaphore_mem>>)
        tpu.wait_dma2 semaphore(%run_scoped3A : memref<!tpu.dma_semaphore, #tpu.memory_space<semaphore_mem>>) src(%arg12 : memref<256xf32, #tpu.memory_space<vmem_shared>>) dst(%arg10 : memref<256xf32, #tpu.memory_space<vmem>>)
        tpu.yield
      }) : () -> ()
      "tpu.region"() ({
        %run_scoped3A = tpu.sem_alloc : memref<!tpu.dma_semaphore, #tpu.memory_space<semaphore_mem>>
        tpu.enqueue_dma source(%arg13 : memref<256xi32, #tpu.memory_space<vmem_shared>>) target(%arg11 : memref<256xi32, #tpu.memory_space<vmem>>) target_semaphore(%run_scoped3A : memref<!tpu.dma_semaphore, #tpu.memory_space<semaphore_mem>>)
        tpu.wait_dma2 semaphore(%run_scoped3A : memref<!tpu.dma_semaphore, #tpu.memory_space<semaphore_mem>>) src(%arg13 : memref<256xi32, #tpu.memory_space<vmem_shared>>) dst(%arg11 : memref<256xi32, #tpu.memory_space<vmem>>)
        tpu.yield
      }) : () -> ()
      %get3A_216 = arith.constant 0 : index
      %get3A_217 = tpu.vector_load %arg10[%get3A_216] {strides = array<i32>} : memref<256xf32, #tpu.memory_space<vmem>>, vector<16xf32>,
      %get3A_218 = vector.shape_cast %get3A_217 : vector<16xf32> to vector<16xf32>
      %get3A_219 = arith.constant 0 : index
      %get3A_220 = tpu.vector_load %arg11[%get3A_219] {strides = array<i32>} : memref<256xi32, #tpu.memory_space<vmem>>, vector<16xi32>,
      %get3A_221 = vector.shape_cast %get3A_220 : vector<16xi32> to vector<16xi32>
      %get3A_222 = arith.constant 16 : index
      %get3A_223 = tpu.vector_load %arg10[%get3A_222] {strides = array<i32>} : memref<256xf32, #tpu.memory_space<vmem>>, vector<16xf32>,
      %get3A_224 = vector.shape_cast %get3A_223 : vector<16xf32> to vector<16xf32>
      %get3A_225 = arith.constant 16 : index
      %get3A_226 = tpu.vector_load %arg11[%get3A_225] {strides = array<i32>} : memref<256xi32, #tpu.memory_space<vmem>>, vector<16xi32>,
      %get3A_227 = vector.shape_cast %get3A_226 : vector<16xi32> to vector<16xi32>
      %lt3A_228 = arith.cmpf olt, %get3A_224, %get3A_218 : vector<16xf32>
      %eq3A_229 = arith.cmpf oeq, %get3A_224, %get3A_218 : vector<16xf32>
      %lt3A_230 = arith.cmpi slt, %get3A_227, %get3A_221 : vector<16xi32>
      %and3A_231 = arith.andi %eq3A_229, %lt3A_230 : vector<16xi1>
      %or3A_232 = arith.ori %lt3A_228, %and3A_231 : vector<16xi1>
      %select_n3A_233 = arith.select %or3A_232, %get3A_224, %get3A_218 : vector<16xi1>, vector<16xf32>
      %select_n3A_234 = arith.select %or3A_232, %get3A_227, %get3A_221 : vector<16xi1>, vector<16xi32>
      %get3A_235 = arith.constant 32 : index
      %get3A_236 = tpu.vector_load %arg10[%get3A_235] {strides = array<i32>} : memref<256xf32, #tpu.memory_space<vmem>>, vector<16xf32>,
      %get3A_237 = vector.shape_cast %get3A_236 : vector<16xf32> to vector<16xf32>
      %get3A_238 = arith.constant 32 : index
      %get3A_239 = tpu.vector_load %arg11[%get3A_238] {strides = array<i32>} : memref<256xi32, #tpu.memory_space<vmem>>, vector<16xi32>,
      %get3A_240 = vector.shape_cast %get3A_239 : vector<16xi32> to vector<16xi32>
      %lt3A_241 = arith.cmpf olt, %get3A_237, %select_n3A_233 : vector<16xf32>
      %eq3A_242 = arith.cmpf oeq, %get3A_237, %select_n3A_233 : vector<16xf32>
      %lt3A_243 = arith.cmpi slt, %get3A_240, %select_n3A_234 : vector<16xi32>
      %and3A_244 = arith.andi %eq3A_242, %lt3A_243 : vector<16xi1>
      %or3A_245 = arith.ori %lt3A_241, %and3A_244 : vector<16xi1>
      %select_n3A_246 = arith.select %or3A_245, %get3A_237, %select_n3A_233 : vector<16xi1>, vector<16xf32>
      %select_n3A_247 = arith.select %or3A_245, %get3A_240, %select_n3A_234 : vector<16xi1>, vector<16xi32>
      %get3A_248 = arith.constant 48 : index
      %get3A_249 = tpu.vector_load %arg10[%get3A_248] {strides = array<i32>} : memref<256xf32, #tpu.memory_space<vmem>>, vector<16xf32>,
      %get3A_250 = vector.shape_cast %get3A_249 : vector<16xf32> to vector<16xf32>
      %get3A_251 = arith.constant 48 : index
      %get3A_252 = tpu.vector_load %arg11[%get3A_251] {strides = array<i32>} : memref<256xi32, #tpu.memory_space<vmem>>, vector<16xi32>,
      %get3A_253 = vector.shape_cast %get3A_252 : vector<16xi32> to vector<16xi32>
      %lt3A_254 = arith.cmpf olt, %get3A_250, %select_n3A_246 : vector<16xf32>
      %eq3A_255 = arith.cmpf oeq, %get3A_250, %select_n3A_246 : vector<16xf32>
      %lt3A_256 = arith.cmpi slt, %get3A_253, %select_n3A_247 : vector<16xi32>
      %and3A_257 = arith.andi %eq3A_255, %lt3A_256 : vector<16xi1>
      %or3A_258 = arith.ori %lt3A_254, %and3A_257 : vector<16xi1>
      %select_n3A_259 = arith.select %or3A_258, %get3A_250, %select_n3A_246 : vector<16xi1>, vector<16xf32>
      %select_n3A_260 = arith.select %or3A_258, %get3A_253, %select_n3A_247 : vector<16xi1>, vector<16xi32>
      %get3A_261 = arith.constant 64 : index
      %get3A_262 = tpu.vector_load %arg10[%get3A_261] {strides = array<i32>} : memref<256xf32, #tpu.memory_space<vmem>>, vector<16xf32>,
      %get3A_263 = vector.shape_cast %get3A_262 : vector<16xf32> to vector<16xf32>
      %get3A_264 = arith.constant 64 : index
      %get3A_265 = tpu.vector_load %arg11[%get3A_264] {strides = array<i32>} : memref<256xi32, #tpu.memory_space<vmem>>, vector<16xi32>,
      %get3A_266 = vector.shape_cast %get3A_265 : vector<16xi32> to vector<16xi32>
      %lt3A_267 = arith.cmpf olt, %get3A_263, %select_n3A_259 : vector<16xf32>
      %eq3A_268 = arith.cmpf oeq, %get3A_263, %select_n3A_259 : vector<16xf32>
      %lt3A_269 = arith.cmpi slt, %get3A_266, %select_n3A_260 : vector<16xi32>
      %and3A_270 = arith.andi %eq3A_268, %lt3A_269 : vector<16xi1>
      %or3A_271 = arith.ori %lt3A_267, %and3A_270 : vector<16xi1>
      %select_n3A_272 = arith.select %or3A_271, %get3A_263, %select_n3A_259 : vector<16xi1>, vector<16xf32>
      %select_n3A_273 = arith.select %or3A_271, %get3A_266, %select_n3A_260 : vector<16xi1>, vector<16xi32>
      %get3A_274 = arith.constant 80 : index
      %get3A_275 = tpu.vector_load %arg10[%get3A_274] {strides = array<i32>} : memref<256xf32, #tpu.memory_space<vmem>>, vector<16xf32>,
      %get3A_276 = vector.shape_cast %get3A_275 : vector<16xf32> to vector<16xf32>
      %get3A_277 = arith.constant 80 : index
      %get3A_278 = tpu.vector_load %arg11[%get3A_277] {strides = array<i32>} : memref<256xi32, #tpu.memory_space<vmem>>, vector<16xi32>,
      %get3A_279 = vector.shape_cast %get3A_278 : vector<16xi32> to vector<16xi32>
      %lt3A_280 = arith.cmpf olt, %get3A_276, %select_n3A_272 : vector<16xf32>
      %eq3A_281 = arith.cmpf oeq, %get3A_276, %select_n3A_272 : vector<16xf32>
      %lt3A_282 = arith.cmpi slt, %get3A_279, %select_n3A_273 : vector<16xi32>
      %and3A_283 = arith.andi %eq3A_281, %lt3A_282 : vector<16xi1>
      %or3A_284 = arith.ori %lt3A_280, %and3A_283 : vector<16xi1>
      %select_n3A_285 = arith.select %or3A_284, %get3A_276, %select_n3A_272 : vector<16xi1>, vector<16xf32>
      %select_n3A_286 = arith.select %or3A_284, %get3A_279, %select_n3A_273 : vector<16xi1>, vector<16xi32>
      %get3A_287 = arith.constant 96 : index
      %get3A_288 = tpu.vector_load %arg10[%get3A_287] {strides = array<i32>} : memref<256xf32, #tpu.memory_space<vmem>>, vector<16xf32>,
      %get3A_289 = vector.shape_cast %get3A_288 : vector<16xf32> to vector<16xf32>
      %get3A_290 = arith.constant 96 : index
      %get3A_291 = tpu.vector_load %arg11[%get3A_290] {strides = array<i32>} : memref<256xi32, #tpu.memory_space<vmem>>, vector<16xi32>,
      %get3A_292 = vector.shape_cast %get3A_291 : vector<16xi32> to vector<16xi32>
      %lt3A_293 = arith.cmpf olt, %get3A_289, %select_n3A_285 : vector<16xf32>
      %eq3A_294 = arith.cmpf oeq, %get3A_289, %select_n3A_285 : vector<16xf32>
      %lt3A_295 = arith.cmpi slt, %get3A_292, %select_n3A_286 : vector<16xi32>
      %and3A_296 = arith.andi %eq3A_294, %lt3A_295 : vector<16xi1>
      %or3A_297 = arith.ori %lt3A_293, %and3A_296 : vector<16xi1>
      %select_n3A_298 = arith.select %or3A_297, %get3A_289, %select_n3A_285 : vector<16xi1>, vector<16xf32>
      %select_n3A_299 = arith.select %or3A_297, %get3A_292, %select_n3A_286 : vector<16xi1>, vector<16xi32>
      %get3A_300 = arith.constant 112 : index
      %get3A_301 = tpu.vector_load %arg10[%get3A_300] {strides = array<i32>} : memref<256xf32, #tpu.memory_space<vmem>>, vector<16xf32>,
      %get3A_302 = vector.shape_cast %get3A_301 : vector<16xf32> to vector<16xf32>
      %get3A_303 = arith.constant 112 : index
      %get3A_304 = tpu.vector_load %arg11[%get3A_303] {strides = array<i32>} : memref<256xi32, #tpu.memory_space<vmem>>, vector<16xi32>,
      %get3A_305 = vector.shape_cast %get3A_304 : vector<16xi32> to vector<16xi32>
      %lt3A_306 = arith.cmpf olt, %get3A_302, %select_n3A_298 : vector<16xf32>
      %eq3A_307 = arith.cmpf oeq, %get3A_302, %select_n3A_298 : vector<16xf32>
      %lt3A_308 = arith.cmpi slt, %get3A_305, %select_n3A_299 : vector<16xi32>
      %and3A_309 = arith.andi %eq3A_307, %lt3A_308 : vector<16xi1>
      %or3A_310 = arith.ori %lt3A_306, %and3A_309 : vector<16xi1>
      %select_n3A_311 = arith.select %or3A_310, %get3A_302, %select_n3A_298 : vector<16xi1>, vector<16xf32>
      %select_n3A_312 = arith.select %or3A_310, %get3A_305, %select_n3A_299 : vector<16xi1>, vector<16xi32>
      %get3A_313 = arith.constant 128 : index
      %get3A_314 = tpu.vector_load %arg10[%get3A_313] {strides = array<i32>} : memref<256xf32, #tpu.memory_space<vmem>>, vector<16xf32>,
      %get3A_315 = vector.shape_cast %get3A_314 : vector<16xf32> to vector<16xf32>
      %get3A_316 = arith.constant 128 : index
      %get3A_317 = tpu.vector_load %arg11[%get3A_316] {strides = array<i32>} : memref<256xi32, #tpu.memory_space<vmem>>, vector<16xi32>,
      %get3A_318 = vector.shape_cast %get3A_317 : vector<16xi32> to vector<16xi32>
      %lt3A_319 = arith.cmpf olt, %get3A_315, %select_n3A_311 : vector<16xf32>
      %eq3A_320 = arith.cmpf oeq, %get3A_315, %select_n3A_311 : vector<16xf32>
      %lt3A_321 = arith.cmpi slt, %get3A_318, %select_n3A_312 : vector<16xi32>
      %and3A_322 = arith.andi %eq3A_320, %lt3A_321 : vector<16xi1>
      %or3A_323 = arith.ori %lt3A_319, %and3A_322 : vector<16xi1>
      %select_n3A_324 = arith.select %or3A_323, %get3A_315, %select_n3A_311 : vector<16xi1>, vector<16xf32>
      %select_n3A_325 = arith.select %or3A_323, %get3A_318, %select_n3A_312 : vector<16xi1>, vector<16xi32>
      %get3A_326 = arith.constant 144 : index
      %get3A_327 = tpu.vector_load %arg10[%get3A_326] {strides = array<i32>} : memref<256xf32, #tpu.memory_space<vmem>>, vector<16xf32>,
      %get3A_328 = vector.shape_cast %get3A_327 : vector<16xf32> to vector<16xf32>
      %get3A_329 = arith.constant 144 : index
      %get3A_330 = tpu.vector_load %arg11[%get3A_329] {strides = array<i32>} : memref<256xi32, #tpu.memory_space<vmem>>, vector<16xi32>,
      %get3A_331 = vector.shape_cast %get3A_330 : vector<16xi32> to vector<16xi32>
      %lt3A_332 = arith.cmpf olt, %get3A_328, %select_n3A_324 : vector<16xf32>
      %eq3A_333 = arith.cmpf oeq, %get3A_328, %select_n3A_324 : vector<16xf32>
      %lt3A_334 = arith.cmpi slt, %get3A_331, %select_n3A_325 : vector<16xi32>
      %and3A_335 = arith.andi %eq3A_333, %lt3A_334 : vector<16xi1>
      %or3A_336 = arith.ori %lt3A_332, %and3A_335 : vector<16xi1>
      %select_n3A_337 = arith.select %or3A_336, %get3A_328, %select_n3A_324 : vector<16xi1>, vector<16xf32>
      %select_n3A_338 = arith.select %or3A_336, %get3A_331, %select_n3A_325 : vector<16xi1>, vector<16xi32>
      %get3A_339 = arith.constant 160 : index
      %get3A_340 = tpu.vector_load %arg10[%get3A_339] {strides = array<i32>} : memref<256xf32, #tpu.memory_space<vmem>>, vector<16xf32>,
      %get3A_341 = vector.shape_cast %get3A_340 : vector<16xf32> to vector<16xf32>
      %get3A_342 = arith.constant 160 : index
      %get3A_343 = tpu.vector_load %arg11[%get3A_342] {strides = array<i32>} : memref<256xi32, #tpu.memory_space<vmem>>, vector<16xi32>,
      %get3A_344 = vector.shape_cast %get3A_343 : vector<16xi32> to vector<16xi32>
      %lt3A_345 = arith.cmpf olt, %get3A_341, %select_n3A_337 : vector<16xf32>
      %eq3A_346 = arith.cmpf oeq, %get3A_341, %select_n3A_337 : vector<16xf32>
      %lt3A_347 = arith.cmpi slt, %get3A_344, %select_n3A_338 : vector<16xi32>
      %and3A_348 = arith.andi %eq3A_346, %lt3A_347 : vector<16xi1>
      %or3A_349 = arith.ori %lt3A_345, %and3A_348 : vector<16xi1>
      %select_n3A_350 = arith.select %or3A_349, %get3A_341, %select_n3A_337 : vector<16xi1>, vector<16xf32>
      %select_n3A_351 = arith.select %or3A_349, %get3A_344, %select_n3A_338 : vector<16xi1>, vector<16xi32>
      %get3A_352 = arith.constant 176 : index
      %get3A_353 = tpu.vector_load %arg10[%get3A_352] {strides = array<i32>} : memref<256xf32, #tpu.memory_space<vmem>>, vector<16xf32>,
      %get3A_354 = vector.shape_cast %get3A_353 : vector<16xf32> to vector<16xf32>
      %get3A_355 = arith.constant 176 : index
      %get3A_356 = tpu.vector_load %arg11[%get3A_355] {strides = array<i32>} : memref<256xi32, #tpu.memory_space<vmem>>, vector<16xi32>,
      %get3A_357 = vector.shape_cast %get3A_356 : vector<16xi32> to vector<16xi32>
      %lt3A_358 = arith.cmpf olt, %get3A_354, %select_n3A_350 : vector<16xf32>
      %eq3A_359 = arith.cmpf oeq, %get3A_354, %select_n3A_350 : vector<16xf32>
      %lt3A_360 = arith.cmpi slt, %get3A_357, %select_n3A_351 : vector<16xi32>
      %and3A_361 = arith.andi %eq3A_359, %lt3A_360 : vector<16xi1>
      %or3A_362 = arith.ori %lt3A_358, %and3A_361 : vector<16xi1>
      %select_n3A_363 = arith.select %or3A_362, %get3A_354, %select_n3A_350 : vector<16xi1>, vector<16xf32>
      %select_n3A_364 = arith.select %or3A_362, %get3A_357, %select_n3A_351 : vector<16xi1>, vector<16xi32>
      %get3A_365 = arith.constant 192 : index
      %get3A_366 = tpu.vector_load %arg10[%get3A_365] {strides = array<i32>} : memref<256xf32, #tpu.memory_space<vmem>>, vector<16xf32>,
      %get3A_367 = vector.shape_cast %get3A_366 : vector<16xf32> to vector<16xf32>
      %get3A_368 = arith.constant 192 : index
      %get3A_369 = tpu.vector_load %arg11[%get3A_368] {strides = array<i32>} : memref<256xi32, #tpu.memory_space<vmem>>, vector<16xi32>,
      %get3A_370 = vector.shape_cast %get3A_369 : vector<16xi32> to vector<16xi32>
      %lt3A_371 = arith.cmpf olt, %get3A_367, %select_n3A_363 : vector<16xf32>
      %eq3A_372 = arith.cmpf oeq, %get3A_367, %select_n3A_363 : vector<16xf32>
      %lt3A_373 = arith.cmpi slt, %get3A_370, %select_n3A_364 : vector<16xi32>
      %and3A_374 = arith.andi %eq3A_372, %lt3A_373 : vector<16xi1>
      %or3A_375 = arith.ori %lt3A_371, %and3A_374 : vector<16xi1>
      %select_n3A_376 = arith.select %or3A_375, %get3A_367, %select_n3A_363 : vector<16xi1>, vector<16xf32>
      %select_n3A_377 = arith.select %or3A_375, %get3A_370, %select_n3A_364 : vector<16xi1>, vector<16xi32>
      %get3A_378 = arith.constant 208 : index
      %get3A_379 = tpu.vector_load %arg10[%get3A_378] {strides = array<i32>} : memref<256xf32, #tpu.memory_space<vmem>>, vector<16xf32>,
      %get3A_380 = vector.shape_cast %get3A_379 : vector<16xf32> to vector<16xf32>
      %get3A_381 = arith.constant 208 : index
      %get3A_382 = tpu.vector_load %arg11[%get3A_381] {strides = array<i32>} : memref<256xi32, #tpu.memory_space<vmem>>, vector<16xi32>,
      %get3A_383 = vector.shape_cast %get3A_382 : vector<16xi32> to vector<16xi32>
      %lt3A_384 = arith.cmpf olt, %get3A_380, %select_n3A_376 : vector<16xf32>
      %eq3A_385 = arith.cmpf oeq, %get3A_380, %select_n3A_376 : vector<16xf32>
      %lt3A_386 = arith.cmpi slt, %get3A_383, %select_n3A_377 : vector<16xi32>
      %and3A_387 = arith.andi %eq3A_385, %lt3A_386 : vector<16xi1>
      %or3A_388 = arith.ori %lt3A_384, %and3A_387 : vector<16xi1>
      %select_n3A_389 = arith.select %or3A_388, %get3A_380, %select_n3A_376 : vector<16xi1>, vector<16xf32>
      %select_n3A_390 = arith.select %or3A_388, %get3A_383, %select_n3A_377 : vector<16xi1>, vector<16xi32>
      %get3A_391 = arith.constant 224 : index
      %get3A_392 = tpu.vector_load %arg10[%get3A_391] {strides = array<i32>} : memref<256xf32, #tpu.memory_space<vmem>>, vector<16xf32>,
      %get3A_393 = vector.shape_cast %get3A_392 : vector<16xf32> to vector<16xf32>
      %get3A_394 = arith.constant 224 : index
      %get3A_395 = tpu.vector_load %arg11[%get3A_394] {strides = array<i32>} : memref<256xi32, #tpu.memory_space<vmem>>, vector<16xi32>,
      %get3A_396 = vector.shape_cast %get3A_395 : vector<16xi32> to vector<16xi32>
      %lt3A_397 = arith.cmpf olt, %get3A_393, %select_n3A_389 : vector<16xf32>
      %eq3A_398 = arith.cmpf oeq, %get3A_393, %select_n3A_389 : vector<16xf32>
      %lt3A_399 = arith.cmpi slt, %get3A_396, %select_n3A_390 : vector<16xi32>
      %and3A_400 = arith.andi %eq3A_398, %lt3A_399 : vector<16xi1>
      %or3A_401 = arith.ori %lt3A_397, %and3A_400 : vector<16xi1>
      %select_n3A_402 = arith.select %or3A_401, %get3A_393, %select_n3A_389 : vector<16xi1>, vector<16xf32>
      %select_n3A_403 = arith.select %or3A_401, %get3A_396, %select_n3A_390 : vector<16xi1>, vector<16xi32>
      %get3A_404 = arith.constant 240 : index
      %get3A_405 = tpu.vector_load %arg10[%get3A_404] {strides = array<i32>} : memref<256xf32, #tpu.memory_space<vmem>>, vector<16xf32>,
      %get3A_406 = vector.shape_cast %get3A_405 : vector<16xf32> to vector<16xf32>
      %get3A_407 = arith.constant 240 : index
      %get3A_408 = tpu.vector_load %arg11[%get3A_407] {strides = array<i32>} : memref<256xi32, #tpu.memory_space<vmem>>, vector<16xi32>,
      %get3A_409 = vector.shape_cast %get3A_408 : vector<16xi32> to vector<16xi32>
      %lt3A_410 = arith.cmpf olt, %get3A_406, %select_n3A_402 : vector<16xf32>
      %eq3A_411 = arith.cmpf oeq, %get3A_406, %select_n3A_402 : vector<16xf32>
      %lt3A_412 = arith.cmpi slt, %get3A_409, %select_n3A_403 : vector<16xi32>
      %and3A_413 = arith.andi %eq3A_411, %lt3A_412 : vector<16xi1>
      %or3A_414 = arith.ori %lt3A_410, %and3A_413 : vector<16xi1>
      %select_n3A_415 = arith.select %or3A_414, %get3A_406, %select_n3A_402 : vector<16xi1>, vector<16xf32>
      %select_n3A_416 = arith.select %or3A_414, %get3A_409, %select_n3A_403 : vector<16xi1>, vector<16xi32>
      %convert_element_type3A_417 = arith.sitofp %select_n3A_416 : vector<16xi32> to vector<16xf32>
      %mul3A_418 = arith.constant 0.0111111114 : f32
      %mul3A_419 = vector.broadcast %mul3A_418 : f32 to vector<16xf32>
      %mul3A_420 = arith.mulf %convert_element_type3A_417, %mul3A_419 : vector<16xf32>
      %convert_element_type3A_421 = arith.fptosi %mul3A_420 : vector<16xf32> to vector<16xi32>
      %mul3A_422 = arith.constant 90 : i32
      %mul3A_423 = vector.broadcast %mul3A_422 : i32 to vector<16xi32>
      %mul3A_424 = arith.muli %convert_element_type3A_421, %mul3A_423 : vector<16xi32>
      %sub3A = arith.subi %select_n3A_416, %mul3A_424 : vector<16xi32>
      %eq3A_425 = arith.constant 0 : i32
      %eq3A_426 = vector.broadcast %eq3A_425 : i32 to vector<16xi32>
      %eq3A_427 = arith.cmpi eq, %iota3A, %eq3A_426 : vector<16xi32>
      %select_n3A_428 = arith.select %eq3A_427, %convert_element_type3A_421, %sub3A : vector<16xi1>, vector<16xi32>
      %lt3A_429 = arith.constant 2 : i32
      %lt3A_430 = vector.broadcast %lt3A_429 : i32 to vector<16xi32>
      %lt3A_431 = arith.cmpi slt, %iota3A, %lt3A_430 : vector<16xi32>
      %select_n3A_432 = arith.select %lt3A_431, %select_n3A_428, %select_n3A_416 : vector<16xi1>, vector<16xi32>
      %swap3A_433 = arith.constant 0 : index
      %swap3A_434 = tpu.vector_load %arg8[%swap3A_433] {strides = array<i32>} : memref<16xf32, #tpu.memory_space<vmem>>, vector<16xf32>,
      %swap3A_435 = vector.shape_cast %swap3A_434 : vector<16xf32> to vector<16xf32>
      %swap3A_436 = vector.shape_cast %select_n3A_415 : vector<16xf32> to vector<16xf32>
      tpu.vector_store %arg8[%swap3A_433], %swap3A_436 {strides = array<i32>} : memref<16xf32, #tpu.memory_space<vmem>>, vector<16xf32>,
      %swap3A_437 = arith.constant 0 : index
      %swap3A_438 = tpu.vector_load %arg9[%swap3A_437] {strides = array<i32>} : memref<16xi32, #tpu.memory_space<vmem>>, vector<16xi32>,
      %swap3A_439 = vector.shape_cast %swap3A_438 : vector<16xi32> to vector<16xi32>
      %swap3A_440 = vector.shape_cast %select_n3A_432 : vector<16xi32> to vector<16xi32>
      tpu.vector_store %arg9[%swap3A_437], %swap3A_440 {strides = array<i32>} : memref<16xi32, #tpu.memory_space<vmem>>, vector<16xi32>,
      %mul3A_441 = arith.constant 16 : i32
      %mul3A_442 = arith.muli %arg0, %mul3A_441 : i32
      %multiple_of3A_443 = tpu.assume_multiple %mul3A_442, 16 : i32
      "tpu.region"() ({
        %run_scoped3A = tpu.sem_alloc : memref<!tpu.dma_semaphore, #tpu.memory_space<semaphore_mem>>
        %dma_start3A_444 = tpu.memref_slice %arg4[%multiple_of3A_443] : memref<32xf32, #tpu.memory_space<hbm>> -> memref<16xf32, #tpu.memory_space<hbm>>
        %dma_start3A_445 = tpu.memref_slice %arg4[%multiple_of3A_443] : memref<32xf32, #tpu.memory_space<hbm>> -> memref<16xf32, #tpu.memory_space<hbm>>
        tpu.enqueue_dma source(%arg8 : memref<16xf32, #tpu.memory_space<vmem>>) target(%dma_start3A_445 : memref<16xf32, #tpu.memory_space<hbm>>) target_semaphore(%run_scoped3A : memref<!tpu.dma_semaphore, #tpu.memory_space<semaphore_mem>>)
        %dma_wait3A_446 = tpu.memref_slice %arg4[%multiple_of3A_443] : memref<32xf32, #tpu.memory_space<hbm>> -> memref<16xf32, #tpu.memory_space<hbm>>
        %dma_wait3A_447 = tpu.memref_slice %arg4[%multiple_of3A_443] : memref<32xf32, #tpu.memory_space<hbm>> -> memref<16xf32, #tpu.memory_space<hbm>>
        tpu.wait_dma2 semaphore(%run_scoped3A : memref<!tpu.dma_semaphore, #tpu.memory_space<semaphore_mem>>) src(%arg8 : memref<16xf32, #tpu.memory_space<vmem>>) dst(%dma_wait3A_447 : memref<16xf32, #tpu.memory_space<hbm>>)
        tpu.yield
      }) : () -> ()
      "tpu.region"() ({
        %run_scoped3A = tpu.sem_alloc : memref<!tpu.dma_semaphore, #tpu.memory_space<semaphore_mem>>
        %dma_start3A_444 = tpu.memref_slice %arg5[%multiple_of3A_443] : memref<32xi32, #tpu.memory_space<hbm>> -> memref<16xi32, #tpu.memory_space<hbm>>
        %dma_start3A_445 = tpu.memref_slice %arg5[%multiple_of3A_443] : memref<32xi32, #tpu.memory_space<hbm>> -> memref<16xi32, #tpu.memory_space<hbm>>
        tpu.enqueue_dma source(%arg9 : memref<16xi32, #tpu.memory_space<vmem>>) target(%dma_start3A_445 : memref<16xi32, #tpu.memory_space<hbm>>) target_semaphore(%run_scoped3A : memref<!tpu.dma_semaphore, #tpu.memory_space<semaphore_mem>>)
        %dma_wait3A_446 = tpu.memref_slice %arg5[%multiple_of3A_443] : memref<32xi32, #tpu.memory_space<hbm>> -> memref<16xi32, #tpu.memory_space<hbm>>
        %dma_wait3A_447 = tpu.memref_slice %arg5[%multiple_of3A_443] : memref<32xi32, #tpu.memory_space<hbm>> -> memref<16xi32, #tpu.memory_space<hbm>>
        tpu.wait_dma2 semaphore(%run_scoped3A : memref<!tpu.dma_semaphore, #tpu.memory_space<semaphore_mem>>) src(%arg9 : memref<16xi32, #tpu.memory_space<vmem>>) dst(%dma_wait3A_447 : memref<16xi32, #tpu.memory_space<hbm>>)
        tpu.yield
      }) : () -> ()
    } else {
    }
    return
  }
}

module attributes {stable_mosaic.version = 14 : i64} {
  func.func @_combine_tc(%arg0: memref<32xf32, #tpu.memory_space<smem>>, %arg1: memref<32xi32, #tpu.memory_space<smem>>, %arg2: memref<1xf32, #tpu.memory_space<smem>>, %arg3: memref<1xi32, #tpu.memory_space<smem>>, %arg4: memref<2xi32, #tpu.memory_space<smem>>) attributes {dimension_semantics = [], scalar_prefetch = 0 : i64, scratch_operands = 0 : i64, tpu.core_type = #tpu.core_type<tc>} {
    %get3A = arith.constant 0 : index
    %get3A_0 = memref.load %arg0[%get3A] : memref<32xf32, #tpu.memory_space<smem>>
    %get3A_1 = arith.constant 16 : index
    %get3A_2 = memref.load %arg0[%get3A_1] : memref<32xf32, #tpu.memory_space<smem>>
    %get3A_3 = arith.constant 2 : index
    %get3A_4 = memref.load %arg1[%get3A_3] : memref<32xi32, #tpu.memory_space<smem>>
    %get3A_5 = arith.constant 18 : index
    %get3A_6 = memref.load %arg1[%get3A_5] : memref<32xi32, #tpu.memory_space<smem>>
    %lt3A = arith.cmpf olt, %get3A_0, %get3A_2 : f32
    %eq3A = arith.cmpf oeq, %get3A_0, %get3A_2 : f32
    %le3A = arith.cmpi sle, %get3A_4, %get3A_6 : i32
    %and3A = arith.andi %eq3A, %le3A : i1
    %or3A = arith.ori %lt3A, %and3A : i1
    %select_n3A = arith.select %or3A, %get3A_0, %get3A_2 : f32
    %get3A_7 = arith.constant 0 : index
    %get3A_8 = memref.load %arg1[%get3A_7] : memref<32xi32, #tpu.memory_space<smem>>
    %get3A_9 = arith.constant 16 : index
    %get3A_10 = memref.load %arg1[%get3A_9] : memref<32xi32, #tpu.memory_space<smem>>
    %select_n3A_11 = arith.select %or3A, %get3A_8, %get3A_10 : i32
    %get3A_12 = arith.constant 1 : index
    %get3A_13 = memref.load %arg1[%get3A_12] : memref<32xi32, #tpu.memory_space<smem>>
    %get3A_14 = arith.constant 17 : index
    %get3A_15 = memref.load %arg1[%get3A_14] : memref<32xi32, #tpu.memory_space<smem>>
    %select_n3A_16 = arith.select %or3A, %get3A_13, %get3A_15 : i32
    %get3A_17 = arith.constant 0 : index
    %get3A_18 = memref.load %arg2[%get3A_17] : memref<1xf32, #tpu.memory_space<smem>>
    %get3A_19 = arith.constant 0 : index
    %get3A_20 = memref.load %arg3[%get3A_19] : memref<1xi32, #tpu.memory_space<smem>>
    %le3A_21 = arith.cmpf ole, %get3A_18, %select_n3A : f32
    %jit3A = arith.constant 90 : i32
    %div3A = arith.divsi %get3A_20, %jit3A : i32
    %sign3A = arith.constant 0 : i32
    %sign3A_22 = arith.cmpi sgt, %get3A_20, %sign3A : i32
    %sign3A_23 = arith.extui %sign3A_22 : i1 to i32
    %sign3A_24 = arith.constant 0 : i32
    %sign3A_25 = arith.cmpi slt, %get3A_20, %sign3A_24 : i32
    %sign3A_26 = arith.extui %sign3A_25 : i1 to i32
    %sign3A_27 = arith.subi %sign3A_23, %sign3A_26 : i32
    %sign3A_28 = arith.constant 0 : i32
    %sign3A_29 = arith.cmpi sgt, %jit3A, %sign3A_28 : i32
    %sign3A_30 = arith.extui %sign3A_29 : i1 to i32
    %sign3A_31 = arith.constant 0 : i32
    %sign3A_32 = arith.cmpi slt, %jit3A, %sign3A_31 : i32
    %sign3A_33 = arith.extui %sign3A_32 : i1 to i32
    %sign3A_34 = arith.subi %sign3A_30, %sign3A_33 : i32
    %ne3A = arith.cmpi ne, %sign3A_27, %sign3A_34 : i32
    %rem3A = arith.remsi %get3A_20, %jit3A : i32
    %ne3A_35 = arith.constant 0 : i32
    %ne3A_36 = arith.cmpi ne, %rem3A, %ne3A_35 : i32
    %and3A_37 = arith.andi %ne3A, %ne3A_36 : i1
    %sub3A = arith.constant 1 : i32
    %sub3A_38 = arith.subi %div3A, %sub3A : i32
    %select_n3A_39 = arith.select %and3A_37, %sub3A_38, %div3A : i32
    %select_n3A_40 = arith.select %le3A_21, %select_n3A_39, %select_n3A_11 : i32
    %swap3A = arith.constant 0 : index
    %swap3A_41 = memref.load %arg4[%swap3A] : memref<2xi32, #tpu.memory_space<smem>>
    memref.store %select_n3A_40, %arg4[%swap3A] : memref<2xi32, #tpu.memory_space<smem>>
    %jit3A_42 = arith.constant 90 : i32
    %eq3A_43 = arith.constant 0 : i32
    %eq3A_44 = arith.cmpi eq, %jit3A_42, %eq3A_43 : i32
    %jit3A_45 = arith.constant 1 : i32
    %select_n3A_46 = arith.select %eq3A_44, %jit3A_45, %jit3A_42 : i32
    %rem3A_47 = arith.remsi %get3A_20, %select_n3A_46 : i32
    %ne3A_48 = arith.constant 0 : i32
    %ne3A_49 = arith.cmpi ne, %rem3A_47, %ne3A_48 : i32
    %lt3A_50 = arith.constant 0 : i32
    %lt3A_51 = arith.cmpi slt, %rem3A_47, %lt3A_50 : i32
    %lt3A_52 = arith.constant 0 : i32
    %lt3A_53 = arith.cmpi slt, %select_n3A_46, %lt3A_52 : i32
    %ne3A_54 = arith.xori %lt3A_51, %lt3A_53 : i1
    %and3A_55 = arith.andi %ne3A_54, %ne3A_49 : i1
    %add3A = arith.addi %rem3A_47, %select_n3A_46 : i32
    %select_n3A_56 = arith.select %and3A_55, %add3A, %rem3A_47 : i32
    %select_n3A_57 = arith.select %le3A_21, %select_n3A_56, %select_n3A_16 : i32
    %swap3A_58 = arith.constant 1 : index
    %swap3A_59 = memref.load %arg4[%swap3A_58] : memref<2xi32, #tpu.memory_space<smem>>
    memref.store %select_n3A_57, %arg4[%swap3A_58] : memref<2xi32, #tpu.memory_space<smem>>
    return
  }
}

module attributes {stable_mosaic.version = 14 : i64} {
  func.func @_bmu_tc(%arg0: i32, %arg1: memref<256xf32, #tpu.memory_space<vmem>>, %arg2: memref<29x90x256xf32, #tpu.memory_space<vmem>>, %arg3: memref<1xf32, #tpu.memory_space<smem>>, %arg4: memref<1xi32, #tpu.memory_space<smem>>, %arg5: memref<1xf32, #tpu.memory_space<smem>>, %arg6: memref<1xi32, #tpu.memory_space<smem>>) attributes {dimension_semantics = [#tpu.dimension_semantics<arbitrary>], iteration_bounds = array<i64: 2>, scalar_prefetch = 0 : i64, scratch_operands = 2 : i64, tpu.core_type = #tpu.core_type<tc>, window_params = [{pipeline_mode = #tpu.pipeline_mode<synchronous>, transform_indices = @transform_0, window_bounds = array<i64: 256>}, {transform_indices = @transform_1, window_bounds = array<i64: 29, 90, 256>}, {transform_indices = @transform_2, window_bounds = array<i64: 1>}, {transform_indices = @transform_3, window_bounds = array<i64: 1>}]} {
    %eq3A = arith.constant 0 : i32
    %eq3A_0 = arith.cmpi eq, %arg0, %eq3A : i32
    %convert_element_type3A = arith.extui %eq3A_0 : i1 to i32
    %cond3A = arith.constant 0 : i32
    %cond3A_1 = arith.cmpi ne, %convert_element_type3A, %cond3A : i32
    scf.if %cond3A_1 {
      %swap3A_36 = arith.constant 3.000000e+38 : f32
      %swap3A_37 = arith.constant 0 : index
      %swap3A_38 = memref.load %arg5[%swap3A_37] : memref<1xf32, #tpu.memory_space<smem>>
      memref.store %swap3A_36, %arg5[%swap3A_37] : memref<1xf32, #tpu.memory_space<smem>>
      %swap3A_39 = arith.constant 0 : i32
      %swap3A_40 = arith.constant 0 : index
      %swap3A_41 = memref.load %arg6[%swap3A_40] : memref<1xi32, #tpu.memory_space<smem>>
      memref.store %swap3A_39, %arg6[%swap3A_40] : memref<1xi32, #tpu.memory_space<smem>>
    } else {
    }
    %get3A = arith.constant 0 : index
    %get3A_2 = arith.constant 0 : index
    %get3A_3 = arith.constant 0 : index
    %get3A_4 = vector.load %arg2[%get3A, %get3A_2, %get3A_3] : memref<29x90x256xf32, #tpu.memory_space<vmem>>, vector<29x90x256xf32>
    %get3A_5 = arith.constant 0 : index
    %get3A_6 = vector.load %arg1[%get3A_5] : memref<256xf32, #tpu.memory_space<vmem>>, vector<256xf32>
    %reshape3A = vector.shape_cast %get3A_6 : vector<256xf32> to vector<1x1x256xf32>
    %sub3A = vector.broadcast %reshape3A : vector<1x1x256xf32> to vector<29x90x256xf32>
    %sub3A_7 = arith.subf %get3A_4, %sub3A : vector<29x90x256xf32>
    %mul3A = arith.mulf %sub3A_7, %sub3A_7 : vector<29x90x256xf32>
    %reduce_sum3A = arith.constant dense<0.000000e+00> : vector<29x90xf32>
    %reduce_sum3A_8 = vector.multi_reduction <add>, %mul3A, %reduce_sum3A [2] : vector<29x90x256xf32> to vector<29x90xf32>
    %iota3A = tpu.iota {dimensions = array<i32: 0>} : vector<29x90xi32>
    %mul3A_9 = arith.constant 90 : i32
    %mul3A_10 = vector.broadcast %mul3A_9 : i32 to vector<29x90xi32>
    %mul3A_11 = arith.muli %iota3A, %mul3A_10 : vector<29x90xi32>
    %iota3A_12 = tpu.iota {dimensions = array<i32: 1>} : vector<29x90xi32>
    %add3A = arith.addi %mul3A_11, %iota3A_12 : vector<29x90xi32>
    %reduce_min3A = vector.shape_cast %reduce_sum3A_8 : vector<29x90xf32> to vector<1x29x90xf32>
    %reduce_min3A_13 = arith.constant dense<0x7F800000> : vector<1xf32>
    %reduce_min3A_14 = vector.multi_reduction <minimumf>, %reduce_min3A, %reduce_min3A_13 [1, 2] : vector<1x29x90xf32> to vector<1xf32>
    %reduce_min3A_15 = vector.shape_cast %reduce_min3A_14 : vector<1xf32> to vector<1x1x1xf32>
    %reduce_min3A_16 = vector.extract %reduce_min3A_15[0, 0, 0] : f32 from vector<1x1x1xf32>
    %eq3A_17 = vector.broadcast %reduce_min3A_16 : f32 to vector<29x90xf32>
    %eq3A_18 = arith.cmpf oeq, %reduce_sum3A_8, %eq3A_17 : vector<29x90xf32>
    %jit3A = arith.constant 8100 : i32
    %broadcast_in_dim3A = vector.broadcast %jit3A : i32 to vector<29x90xi32>
    %select_n3A = arith.select %eq3A_18, %add3A, %broadcast_in_dim3A : vector<29x90xi1>, vector<29x90xi32>
    %reduce_min3A_19 = vector.shape_cast %select_n3A : vector<29x90xi32> to vector<1x29x90xi32>
    %reduce_min3A_20 = arith.constant dense<2147483647> : vector<1xi32>
    %reduce_min3A_21 = vector.multi_reduction <minsi>, %reduce_min3A_19, %reduce_min3A_20 [1, 2] : vector<1x29x90xi32> to vector<1xi32>
    %reduce_min3A_22 = vector.shape_cast %reduce_min3A_21 : vector<1xi32> to vector<1x1x1xi32>
    %reduce_min3A_23 = vector.extract %reduce_min3A_22[0, 0, 0] : i32 from vector<1x1x1xi32>
    %get3A_24 = arith.constant 0 : index
    %get3A_25 = memref.load %arg5[%get3A_24] : memref<1xf32, #tpu.memory_space<smem>>
    %lt3A = arith.cmpf olt, %reduce_min3A_16, %get3A_25 : f32
    %convert_element_type3A_26 = arith.extui %lt3A : i1 to i32
    %cond3A_27 = arith.constant 0 : i32
    %cond3A_28 = arith.cmpi ne, %convert_element_type3A_26, %cond3A_27 : i32
    scf.if %cond3A_28 {
      %swap3A_36 = arith.constant 0 : index
      %swap3A_37 = memref.load %arg5[%swap3A_36] : memref<1xf32, #tpu.memory_space<smem>>
      memref.store %reduce_min3A_16, %arg5[%swap3A_36] : memref<1xf32, #tpu.memory_space<smem>>
      %mul3A_38 = arith.constant 2610 : i32
      %mul3A_39 = arith.muli %arg0, %mul3A_38 : i32
      %add3A_40 = arith.addi %mul3A_39, %reduce_min3A_23 : i32
      %swap3A_41 = arith.constant 0 : index
      %swap3A_42 = memref.load %arg6[%swap3A_41] : memref<1xi32, #tpu.memory_space<smem>>
      memref.store %add3A_40, %arg6[%swap3A_41] : memref<1xi32, #tpu.memory_space<smem>>
    } else {
    }
    %get3A_29 = arith.constant 0 : index
    %get3A_30 = memref.load %arg5[%get3A_29] : memref<1xf32, #tpu.memory_space<smem>>
    %swap3A = arith.constant 0 : index
    %swap3A_31 = memref.load %arg3[%swap3A] : memref<1xf32, #tpu.memory_space<smem>>
    memref.store %get3A_30, %arg3[%swap3A] : memref<1xf32, #tpu.memory_space<smem>>
    %get3A_32 = arith.constant 0 : index
    %get3A_33 = memref.load %arg6[%get3A_32] : memref<1xi32, #tpu.memory_space<smem>>
    %swap3A_34 = arith.constant 0 : index
    %swap3A_35 = memref.load %arg4[%swap3A_34] : memref<1xi32, #tpu.memory_space<smem>>
    memref.store %get3A_33, %arg4[%swap3A_34] : memref<1xi32, #tpu.memory_space<smem>>
    return
  }
  func.func @transform_0(%arg0: i32) -> i32 {
    %c0_i32 = arith.constant 0 : i32
    %c0_i32_0 = arith.constant 0 : i32
    return %c0_i32 : i32
  }
  func.func @transform_1(%arg0: i32) -> (i32, i32, i32) {
    %c0_i32 = arith.constant 0 : i32
    %c0_i32_0 = arith.constant 0 : i32
    %c0_i32_1 = arith.constant 0 : i32
    return %arg0, %c0_i32, %c0_i32_0 : i32, i32, i32
  }
  func.func @transform_2(%arg0: i32) -> i32 {
    %c0_i32 = arith.constant 0 : i32
    %c0_i32_0 = arith.constant 0 : i32
    return %c0_i32 : i32
  }
  func.func @transform_3(%arg0: i32) -> i32 {
    %c0_i32 = arith.constant 0 : i32
    %c0_i32_0 = arith.constant 0 : i32
    return %c0_i32 : i32
  }
}

</mosaic_0001>

<sc_bundles>
// kernel: kernel.5.cloned.1.call-start
scs
__scs_entry_jumppad:
0x0: {  	(pc) =	sbr.rel $0x88, $3  }
0x1: {  	(tag) =	ssettag $0x0;
	lr =	simm.s32 $0x1  }
0x2: {  	[smem:$0x3F9F] =	sst lr;
	_ =	strace $0xD0000000  }
0x3: {  	_ = 	snop  }
0x4: {  	_ = 	snop  }
0x5: {  	_ = 	snop  }
0x6: {  	_ = 	snop  }
0x7: {  	_ = 	snop  }
__scs_overlays_trampoline_lowered:
0x8: {  	[smem:$0x3FAE] =	sst s0  }
0x9: {  	[smem:$0x3FAF] =	sst s1  }
0xa: {  	[smem:$0x3FB0] =	sst s2  }
0xb: {  	[smem:$0x3FB1] =	sst s3  }
0xc: {  	[smem:$0x3FB2] =	sst s4  }
0xd: {  	[smem:$0x3FB3] =	sst s5  }
0xe: {  	[smem:$0x3FB4] =	sst s6  }
0xf: {  	[smem:$0x3FB5] =	sst s7  }
0x10: {  	[smem:$0x3FB6] =	sst s8  }
0x11: {  	[smem:$0x3FB7] =	sst s9;
	s0 =	simm.s32 @!p0 $0x0  }
0x12: {  	s1 =	sld [smem:$0x3F9D];
	s0 =	simm.s32 @p0 $0x1  }
0x13: {  	[smem:$0x3FB8] =	sst s0;
	s0 =	simm.s32 @!p1 $0x0  }
0x14: {  	s2 =	sld [smem:$0x3F9C];
	s0 =	simm.s32 @p1 $0x1  }
0x15: {  	[smem:$0x3FB9] =	sst s0;
	s0 =	simm.s32 @!p2 $0x0  }
0x16: {  	s3 =	sld [smem:$0x3FDB];
	s0 =	simm.s32 @p2 $0x1  }
0x17: {  	s4 =	simm.s32 $0x1BF5;
	[smem:$0x3FBB] =	sst s0  }
0x18: {  	s0 =	sld [smem:$0x3F9E];
	_ =	swait.ge [sflag:s4], $0x0  }
0x19: {  	s7 =	sld [smem:$0x3F9F]  }
0x1a: {  	s8 =	sadd.s32 $0xFFFFE003, lr  }
0x1b: {  	s9 =	sadd.s32 $0xFFFFFEF7, lr;
	s5 =	simm.s32 $0xFFFFFFFF;
	p2 =	slt.u32 s8, $0xFFFFF086  }
0x1c: {  	p1 =	slt.u32 s9, $0xF7A;
	s5 =	simm.s32 @!p2 $0x0  }
0x1d: {  	s5 =	simm.s32 @p1 $0x1;
	p0 =	seq.s32 s7, s2  }
0x1e: {  	s7 =	smul.u32 @!p0 $0xF7A, s2;
	p2 =	seq.s32 @!p0 s5, $0x0  }
0x1f: {  	s9 =	smul.u32 $0xF7A, s1;
	s8 =	simm.s32 @!p0 $0x1BF5;
	p2 =	por !p2, p0  }
0x20: {  	[sflag:s8] =	ssyncset.s32 @!p0 $0xFFFFF086;
	s6 =	sadd.s32 @!p0 s3, s7;
	s7 =	simm.s32 @!p0 $0x108  }
0x21: {  	s3 =	sadd.s32 s3, s9;
	s6 =	sadd.s32 @!p0 $0x88, s6;
	s7 =	simm.s32 @p2 $0x1082  }
0x22: {  	[simem:s7], [sflag:s8] =	dma.local @!p0 [hbm:s6], $0xF7A  }
0x23: {  	s9 =	sor.u32 $0xD0000000, s2;
	s6 =	simm.s32 $0x108;
	_ =	swait.ge @!p0 [sflag:s8], $0x0  }
0x24: {  	s3 =	sadd.s32 $0x88, s3;
	s6 =	simm.s32 @!p1 $0x1082;
	[sflag:s4] =	ssyncset.s32 $0xFFFFF086  }
0x25: {  	[simem:s6], [sflag:s4] =	dma.local [hbm:s3], $0xF7A  }
0x26: {  	[smem:$0x3F9F] =	sst s1;
	(tag) =	ssettag s2;
	_ =	strace s9  }
0x27: {  	s1 =	sld [smem:$0x3FAF]  }
0x28: {  	s2 =	sld [smem:$0x3FB0]  }
0x29: {  	s4 =	sld [smem:$0x3FB2]  }
0x2a: {  	p0 =	seq.s32 s5, $0x0;
	s5 =	sld [smem:$0x3FB3]  }
0x2b: {  	s6 =	sld [smem:$0x3FB4]  }
0x2c: {  	s7 =	sld [smem:$0x3FB5]  }
0x2d: {  	s3 =	simm.s32 $0x108;
	s8 =	sld [smem:$0x3FB6]  }
0x2e: {  	s3 =	simm.s32 @!p0 $0x1082;
	s9 =	sld [smem:$0x3FB7]  }
0x2f: {  	lr =	sadd.s32 s0, s3;
	s0 =	sld [smem:$0x3FAE]  }
0x30: {  	s3 =	sld [smem:$0x3FB1]  }
0x31: {  	[smem:$0x3FBA] =	sst s10  }
0x32: {  	s10 =	sld [smem:$0x3FB8];
	_ =	sdelay $0x3  }
0x33: {  	p0 =	seq.s32 s10, $0x1;
	s10 =	sld [smem:$0x3FBA];
	_ =	sdelay $0x3  }
0x34: {  	[smem:$0x3FBA] =	sst s10  }
0x35: {  	s10 =	sld [smem:$0x3FB9];
	_ =	sdelay $0x3  }
0x36: {  	p1 =	seq.s32 s10, $0x1;
	s10 =	sld [smem:$0x3FBA];
	_ =	sdelay $0x3  }
0x37: {  	[smem:$0x3FBA] =	sst s10  }
0x38: {  	s10 =	sld [smem:$0x3FBB]  }
0x39: {  	_ = 	snop;
	(pc) =	sbr.ind lr, $3  }
0x3a: {  	_ = 	snop  }
0x3b: {  	_ = 	snop  }
0x3c: {  	p2 =	seq.s32 s10, $0x1;
	s10 =	sld [smem:$0x3FBA]  }
0x3d: {  	_ =	shalt  }
0x3e: {  	_ =	shalt  }
0x3f: {  	_ =	shalt  }
0x40: {  	_ =	shalt  }
0x41: {  	_ =	shalt  }
0x42: {  	_ =	shalt  }
0x43: {  	_ =	shalt  }
0x44: {  	_ =	shalt  }
0x45: {  	_ =	shalt  }
0x46: {  	_ =	shalt  }
0x47: {  	_ =	shalt  }
0x48: {  	_ =	shalt  }
0x49: {  	_ =	shalt  }
0x4a: {  	_ =	shalt  }
0x4b: {  	_ =	shalt  }
0x4c: {  	_ =	shalt  }
0x4d: {  	_ =	shalt  }
0x4e: {  	_ =	shalt  }
0x4f: {  	_ =	shalt  }
0x50: {  	_ =	shalt  }
0x51: {  	_ =	shalt  }
0x52: {  	_ =	shalt  }
0x53: {  	_ =	shalt  }
0x54: {  	_ =	shalt  }
0x55: {  	_ =	shalt  }
0x56: {  	_ =	shalt  }
0x57: {  	_ =	shalt  }
0x58: {  	_ =	shalt  }
0x59: {  	_ =	shalt  }
0x5a: {  	_ =	shalt  }
0x5b: {  	_ =	shalt  }
0x5c: {  	_ =	shalt  }
0x5d: {  	_ =	shalt  }
0x5e: {  	_ =	shalt  }
0x5f: {  	_ =	shalt  }
0x60: {  	_ =	shalt  }
0x61: {  	_ =	shalt  }
0x62: {  	_ =	shalt  }
0x63: {  	_ =	shalt  }
0x64: {  	_ =	shalt  }
0x65: {  	_ =	shalt  }
0x66: {  	_ =	shalt  }
0x67: {  	_ =	shalt  }
0x68: {  	_ =	shalt  }
0x69: {  	_ =	shalt  }
0x6a: {  	_ =	shalt  }
0x6b: {  	_ =	shalt  }
0x6c: {  	_ =	shalt  }
0x6d: {  	_ =	shalt  }
0x6e: {  	_ =	shalt  }
0x6f: {  	_ =	shalt  }
0x70: {  	_ =	shalt  }
0x71: {  	_ =	shalt  }
0x72: {  	_ =	shalt  }
0x73: {  	_ =	shalt  }
0x74: {  	_ =	shalt  }
0x75: {  	_ =	shalt  }
0x76: {  	_ =	shalt  }
0x77: {  	_ =	shalt  }
0x78: {  	_ =	shalt  }
0x79: {  	_ =	shalt  }
0x7a: {  	_ =	shalt  }
0x7b: {  	_ =	shalt  }
0x7c: {  	_ =	shalt  }
0x7d: {  	_ =	shalt  }
0x7e: {  	_ =	shalt  }
0x7f: {  	_ =	shalt  }
0x80: {  	_ =	shalt  }
0x81: {  	_ =	shalt  }
0x82: {  	_ =	shalt  }
0x83: {  	_ =	shalt  }
0x84: {  	_ =	shalt  }
0x85: {  	_ =	shalt  }
0x86: {  	_ =	shalt  }
0x87: {  	_ =	shalt  }
.Lfunc_end0:
.L_simem_size_0:
called_computation_lowered:
.L_overlay_start_0:
0x88: {  	s2 =	sld [smem:$0x3FD9]  }
0x89: {  	s3 =	sld [smem:$0x3FFE];
	_ =	sdelay $0x1  }
0x8a: {  	s1 =	srdreg.scid  }
0x8b: {  	s0 =	sand.u32 $0x1, s1  }
0x8c: {  	s17 =	sshll.u32 s0, $0xA;
	s2 =	sadd.s32 s3, s2  }
0x8d: {  	s2 =	sadd.s32 s2, s17  }
0x8e: {  	[smem:$0x3FC6] =	sst s2  }
0x8f: {  	_ = 	snop  }
0x90: {  	s2 =	sld [smem:$0x3FC9]  }
0x91: {  	s18 =	sld [smem:$0x3FC8]  }
0x92: {  	s4 =	sld [smem:$0x3FD0];
	(tm) =	ssettm $0x1  }
0x93: {  	s5 =	sld [smem:$0x3FFB];
	_ =	sdelay $0x3  }
0x94: {  	_ =	strace s5  }
0x95: {  	s5 =	sld [smem:$0x3FFC];
	_ =	sdelay $0x3  }
0x96: {  	_ =	strace s5  }
0x97: {  	s5 =	sld [smem:$0x3FFD];
	_ =	sdelay $0x3  }
0x98: {  	_ =	strace s5  }
0x99: {  	_ =	strace $0x8FFFFFFF  }
0x9a: {  	s19 =	sld [smem:$0x3FDB];
	_ =	sdelay $0x1  }
0x9b: {  	s6 =	simm.s32 $_scs_section_size  }
0x9c: {  	s7 =	simm.s32 $_size__tile_overlayer_lowered;
	s8 =	simm.s32 $_tile_overlayer_lowered  }
0x9d: {  	s22 =	simm.s32 $0x1BFF;
	s21 =	sshll.u32 s8, $0x1;
	s5 =	sadd.s32 s6, s19  }
0x9e: {  	s9 =	simm.s32 $0x0;
	s20 =	sshll.u32 s7, $0x1;
	s7 =	sadd.s32 s21, s5  }
0x9f: {  	[timem:s9], [sflag:s22] =	dma.local [hbm:s7], s20  }
0xa0: {  	_ =	swait.ge [sflag:s22], s20  }
0xa1: {  	s6 =	ssub.s32 $0x0, s20;
	[sflag:s22] =	ssyncset.done $0x0  }
0xa2: {  	[sflag:s22] =	ssyncadd.s32 s6;
	_ =	sdelay $0x1  }
0xa3: {  	s23 =	simm.s32 $0x1B8B  }
0xa4: {  	_ =	swait.ge [sflag:s23], $0x1  }
0xa5: {  	[sflag:s23] =	ssyncset.done $0x0  }
0xa6: {  	s25 =	simm.s32 $0x1B8E;
	s24 =	sld [smem:$0x3FFE];
	[sflag:s23] =	ssyncadd.s32 $0xFFFFFFFF  }
0xa7: {  	s26 =	simm.s32 $execute0_lowered;
	[smem:$0x3FD2] =	sst s25  }
0xa8: {  	s7 =	sshll.u32 s26, $0x1;
	_ =	strace $0x80000046;
	[dreg:$0x1] =	wrdreg $0xFFFFFFFF  }
0xa9: {  	s28 =	simm.s32 $_size_execute0_lowered;
	s5 =	sadd.s32 s5, s7;
	[dreg:$0x0] =	wrdreg $0x0  }
0xaa: {  	s7 =	sshll.u32 s28, $0x1;
	[dreg:$0x2] =	wrdreg s5  }
0xab: {  	[dreg:$0x3] =	wrdreg s7  }
0xac: {  	[dreg:$0x4] =	wrdreg $0xC0  }
0xad: {  	_ =	task [dreg:s9], $0x5FFFF  }
0xae: {  	[dreg:$0x1] =	wrdreg $0xFFFFFFFF  }
0xaf: {  	[dreg:$0x0] =	wrdreg $0x60  }
0xb0: {  	[dreg:$0x2] =	wrdreg s2  }
0xb1: {  	[dreg:$0x3] =	wrdreg s18  }
0xb2: {  	[dreg:$0x4] =	wrdreg s4  }
0xb3: {  	[dreg:$0x5] =	wrdreg s24  }
0xb4: {  	[dreg:$0x6] =	wrdreg $0x64000  }
0xb5: {  	[dreg:$0x7] =	wrdreg $0x64100  }
0xb6: {  	[dreg:$0x8] =	wrdreg $0x9  }
0xb7: {  	_ =	task.clear_ibuf [dreg:s9], $0x9FFFF;
	_ =	strace $0x90000046  }
0xb8: {  	s29 =	simm.s32 $0x9;
	_ =	strace $0x80000048  }
0xb9: {  	_ =	swait.ge [sflag:s29], $0x1  }
0xba: {  	[sflag:s29] =	ssyncadd.s32 $0xFFFFFFFF  }
0xbb: {  	_ =	strace $0x90000048  }
0xbc: {  	_ =	sfence  }
0xbd: {  	s30 =	sld [smem:$0x0];
	_ =	sdelay $0x2  }
0xbe: {  	s31 =	sshll.u32 s1, $0xD;
	s1 =	sshrl.u32 s1, $0x2  }
0xbf: {  	s3 =	sand.u32 $0x4000, s31;
	s1 =	sadd.s32 s1, s30  }
0xc0: {  	s0 =	sor.u32 s3, s0;
	s1 =	sshll.u32 s1, $0x11  }
0xc1: {  	s0 =	sor.u32 s1, s0  }
0xc2: {  	s0 =	sadd.s32 $0x8F2B, s0  }
0xc3: {  	[sflag:s0] =	ssyncadd.remote.s32 $0x1  }
0xc4: {  	_ =	sfence.sel $0xFFFF  }
0xc5: {  	[dreg:$0x0] =	wrdreg $0xFFFFFFFF;
	(pc) =	sbr.abs _section_cstart, $3  }
0xc6: {  	[dreg:$0x1] =	wrdreg $0xFFFFFFFF  }
0xc7: {  	_ =	task.clear_ibuf [dreg:s9], $0x2FFFF;
	_ =	strace $0x9FFFFFFF  }
0xc8: {  	(tm) =	ssettm $0x7FFFFFFF  }
0xc9: {  	_ =	shalt  }
tec
execute0_lowered:
.L_overlay_start_1:
0x0: {  	(tag) =	ssettag $0x1  }
0x1: {  	s0 =	rddreg [dreg:$0x0]  }
0x2: {  	s5 =	rddreg [dreg:$0x1]  }
0x3: {  	s8 =	rddreg [dreg:$0x2]  }
0x4: {  	s6 =	rddreg [dreg:$0x3]  }
0x5: {  	s2 =	rddreg [dreg:$0x4]  }
0x6: {  	s3 =	rddreg [dreg:$0x5]  }
0x7: {  	v0 =	vimm.s32 $0xFEDCBA98;
	v1 =	vimm.s32 $0x76543210;
	s1 =	rddreg [dreg:$0x6];
	v2 =	vimm.s32 $0xBA98FEDC  }
0x8: {  	s4 =	simm.s32 $0x0;
	s7 =	srdreg.scid;
	s15 =	stileid.u32;
	v3 =	vimm.s32 $0x32107654;
	v4 =	vimm.s32 $0xDCFE98BA;
	v5 =	vimm.s32 $0x54761032  }
0x9: {  	v6 =	vimm.s32 $0xEFCDAB89;
	s16 =	simm.s32 $0x6180;
	s17 =	simm.s32 $0x6200;
	s18 =	simm.s32 $0x6300  }
0xa: {  	v7 =	vimm.s32 $0x67452301;
	s19 =	simm.s32 $0x0;
	v0 =	vunpack.c.l.s4.s8 v0;
	v1 =	vunpack.c.l.s4.s8 v1;
	[smem:$0x7FF] =	sst s4;
	s7 =	sand.u32 $0x1, s7  }
0xb: {  	s9 =	sshll.u32 s15, $0x1;
	v2 =	vunpack.c.l.s4.s8 v2;
	v3 =	vunpack.c.l.s4.s8 v3;
	v4 =	vunpack.c.l.s4.s8 v4;
	s13 =	smul.u32 $0xB4, s15;
	s31 =	sshll.u32 s15, $0x4  }
0xc: {  	v5 =	vunpack.c.l.s4.s8 v5;
	v6 =	vunpack.c.l.s4.s8 v6;
	v7 =	vunpack.c.l.s4.s8 v7;
	p0 =	sne.s32 s15, $0x0;
	s15 =	simm.s32 $0x6100;
	_ =	strace $0x80000047  }
0xd: {  	s9 =	sor.u32 s7, s9;
	s10 =	sshll.u32 s7, $0x1;
	s14 =	smul.u32 $0x5A, s7;
	v0 =	vunpack.c.0.s8.s32 v0;
	v1 =	vunpack.c.0.s8.s32 v1;
	v2 =	vunpack.c.0.s8.s32 v2  }
0xe: {  	s11 =	ssub.s32 $0x2, s7;
	s7 =	sadd.s32 s31, s3;
	s9 =	smul.u32 $0xC00, s9;
	v3 =	vunpack.c.0.s8.s32 v3;
	v4 =	vunpack.c.0.s8.s32 v4;
	v5 =	vunpack.c.0.s8.s32 v5  }
.Ltmp0:
0xf: {  	s12 =	sadd.s32 s10, s6;
	s30 =	sshrl.u32 s11, $0x1;
	v6 =	vunpack.c.0.s8.s32 v6;
	v7 =	vunpack.c.0.s8.s32 v7;
	v0 =	vand.u32 $0xF, v0;
	(pc) =	sbr.rel .LBB2_1-.Ltmp0, $4  }
0x10: {  	vm0 =	vmmov $0xff;
	s6 =	sadd.s32 s31, s2;
	s8 =	sadd.s32 s8, s10;
	s11 =	ssub.s32 s11, s30;
	v0 =	vcombine.low v0, v1;
	v1 =	vcombine.low v3, v2  }
0x11: {  	s13 =	sadd.s32 s14, s13;
	s14 =	simm.s32 $0x1;
	s5 =	sadd.s32 s5, s9;
	v2 =	vcombine.low v5, v4;
	v3 =	vcombine.low v7, v6;
	v4 =	vlaneseq.u32  }
0x12: {  	vm1 =	vmmov $0x1;
	vm2 =	vmmov $0x3;
	s9 =	sadd.s32 $0x1200, s12;
	s10 =	smax.u32 s11, $0x1;
	s11 =	sadd.s32 $0x1464, s13;
	v4 =	vshrl.u32 v4, $0x3  }
0x13: {  	s12 =	simm.s32 $0x100;
	s13 =	simm.s32 $0x2;
	s5 =	sadd.s32 $0x2B800, s5;
	v5 =	vand.u32 $0xF, v1;
	v6 =	vand.u32 $0xF, v2;
	v7 =	vand.u32 $0xF, v3  }
.LBB2_5:
0x14: {  	s19 =	sadd.s32 $0x1, s19  }
0x15: {  	p1 =	sne.s32 s19, s10  }
.Ltmp1:
0x16: {  	_ = 	snop;
	(pc) =	sbr.rel @!p1 .LBB2_6-.Ltmp1, $1  }
0x17: {  	_ =	sdelay $0x3  }
.LBB2_1:
0x18: {  	[tilespmem:s12], [sflag:$0x1] =	stream.linear.gather [hbm4b:s5+s4], $0x6000, $0x38;
	[tilespmem:$0x6420] =	vst v63  }
0x19: {  	_ = 	snop  }
0x1a: {  	[tilespmem:s4], [sflag:$0x2] =	stream.linear.gather [hbm4b:s0+s4], $0x100, $0x38;
	[tilespmem:$0x6420] =	vst v63  }
0x1b: {  	_ =	swait.ge [sflag:s13], $0x100  }
0x1c: {  	[sflag:s13] =	ssyncset.done $0x0  }
0x1d: {  	[sflag:s13] =	ssyncadd.s32 $0xFFFFFF00  }
0x1e: {  	v10 =	vld [tilespmem:$0x0]  }
0x1f: {  	v11 =	vld [tilespmem:$0x10]  }
0x20: {  	v9 =	vld [tilespmem:$0x20]  }
0x21: {  	v12 =	vld [tilespmem:$0x30]  }
0x22: {  	v13 =	vld [tilespmem:$0x40]  }
0x23: {  	v14 =	vld [tilespmem:$0x50]  }
0x24: {  	v8 =	vld [tilespmem:$0x60]  }
0x25: {  	v15 =	vld [tilespmem:$0x70]  }
0x26: {  	v16 =	vld [tilespmem:$0x80]  }
0x27: {  	v17 =	vld [tilespmem:$0x90]  }
0x28: {  	v18 =	vld [tilespmem:$0xA0]  }
0x29: {  	v19 =	vld [tilespmem:$0xB0]  }
0x2a: {  	v20 =	vld [tilespmem:$0xC0]  }
0x2b: {  	v21 =	vld [tilespmem:$0xD0]  }
0x2c: {  	v22 =	vld [tilespmem:$0xE0]  }
0x2d: {  	v23 =	vld [tilespmem:$0xF0];
	_ =	swait.ge [sflag:s14], $0x6000  }
0x2e: {  	s20 =	sand.u32 $0x7800, s4;
	s21 =	sand.u32 $0x300, s4;
	[sflag:s14] =	ssyncset.done $0x0  }
0x2f: {  	s21 =	sor.u32 s21, s20;
	[sflag:s14] =	ssyncadd.s32 $0xFFFFA000  }
0x30: {  	v24 =	vld [tilespmem:s21+$0x5F0]  }
0x31: {  	v25 =	vld [tilespmem:s21+$0x1F0]  }
0x32: {  	v27 =	vld [tilespmem:s21+$0x570]  }
0x33: {  	v28 =	vld [tilespmem:s21+$0x170]  }
0x34: {  	v29 =	vld [tilespmem:s21+$0x1D0]  }
0x35: {  	v30 =	vld [tilespmem:s21+$0x5E0]  }
0x36: {  	v31 =	vld [tilespmem:s21+$0x5D0]  }
0x37: {  	v32 =	vld [tilespmem:s21+$0x5C0]  }
0x38: {  	v33 =	vld [tilespmem:s21+$0x540]  }
0x39: {  	v35 =	vld [tilespmem:s21+$0x1B0]  }
0x3a: {  	v36 =	vld [tilespmem:s21+$0x1C0]  }
0x3b: {  	v37 =	vld [tilespmem:s21+$0x560]  }
0x3c: {  	v38 =	vld [tilespmem:s21+$0x520]  }
0x3d: {  	v39 =	vld [tilespmem:s21+$0x120]  }
0x3e: {  	v40 =	vld [tilespmem:s21+$0x130]  }
0x3f: {  	v41 =	vld [tilespmem:s21+$0x530]  }
0x40: {  	v42 =	vld [tilespmem:s21+$0x590];
	v26 =	vsub.f32 v25, v15  }
0x41: {  	v44 =	vld [tilespmem:s21+$0x110];
	v29 =	vsub.f32 v29, v14;
	v34 =	vsub.f32 v30, v22  }
0x42: {  	v45 =	vld [tilespmem:s21+$0x190];
	v32 =	vsub.f32 v32, v20;
	v43 =	vsub.f32 v35, v12  }
0x43: {  	v61 =	vld [tilespmem:s21+$0x5B0];
	v28 =	vsub.f32 v28, v15;
	v27 =	vsub.f32 v27, v23  }
0x44: {  	v47 =	vld [tilespmem:s21+$0x100];
	v35 =	vsub.f32 v24, v23;
	v46 =	vsub.f32 v31, v21  }
0x45: {  	v48 =	vld [tilespmem:s21+$0x150];
	v31 =	vsub.f32 v33, v20;
	v60 =	vsub.f32 v41, v19  }
0x46: {  	v49 =	vld [tilespmem:s21+$0x500];
	v42 =	vsub.f32 v42, v17;
	v40 =	vsub.f32 v40, v12  }
0x47: {  	v50 =	vld [tilespmem:s21+$0x5A0];
	v36 =	vsub.f32 v36, v13;
	v39 =	vsub.f32 v39, v9  }
0x48: {  	v51 =	vld [tilespmem:s21+$0x140];
	v38 =	vsub.f32 v38, v18;
	v45 =	vsub.f32 v45, v11  }
0x49: {  	v52 =	vld [tilespmem:s21+$0x550];
	v37 =	vsub.f32 v37, v22;
	v41 =	vsub.f32 v61, v19  }
0x4a: {  	v25 =	vld [tilespmem:s21+$0x580];
	v47 =	vsub.f32 v47, v10;
	v48 =	vsub.f32 v48, v14  }
0x4b: {  	v30 =	vld [tilespmem:s21+$0x510];
	v49 =	vsub.f32 v49, v16;
	v44 =	vsub.f32 v44, v11;
	v31 =	vmul.f32 v31, v31  }
0x4c: {  	v55 =	vld [tilespmem:s21+$0x1A0];
	v50 =	vsub.f32 v50, v18;
	v42 =	vmul.f32 v42, v42;
	v32 =	vmul.f32 v32, v32  }
0x4d: {  	s31 =	simm.s32 $0x100;
	s22 =	simm.s32 $0x200;
	v24 =	vld [tilespmem:s21+$0x180];
	v51 =	vsub.f32 v51, v13;
	v39 =	vmul.f32 v39, v39;
	v45 =	vmul.f32 v45, v45  }
0x4e: {  	s22 =	sand.u32 $0x7800, s22;
	s20 =	sand.u32 $0x300, s31;
	v53 =	vld [tilespmem:s21+$0x160];
	v52 =	vsub.f32 v52, v21;
	v41 =	vmul.f32 v41, v41;
	v47 =	vmul.f32 v47, v47  }
0x4f: {  	s20 =	sor.u32 s20, s22;
	v49 =	vmul.f32 v49, v49;
	v44 =	vmul.f32 v44, v44;
	v25 =	vsub.f32 v25, v16  }
0x50: {  	v62 =	vmul.f32 v50, v50;
	v38 =	vmul.f32 v38, v38;
	v50 =	vld [tilespmem:s20+$0x190];
	v30 =	vsub.f32 v30, v17  }
0x51: {  	v54 =	vld [tilespmem:s21+$0x1E0];
	v59 =	vsub.f32 v55, v9;
	v51 =	vmul.f32 v51, v51;
	v25 =	vmul.f32 v25, v25  }
0x52: {  	v63 =	vld [tilespmem:s20+$0x1F0];
	v44 =	vadd.f32 v44, v47;
	v24 =	vsub.f32 v24, v10;
	v30 =	vmul.f32 v30, v30  }
0x53: {  	v57 =	vld [tilespmem:s20+$0x1D0];
	v33 =	vmul.f32 v60, v60;
	v47 =	vsub.f32 v53, v8;
	v25 =	vadd.f32 v42, v25  }
0x54: {  	v56 =	vld [tilespmem:s20+$0x5F0];
	v39 =	vadd.f32 v39, v44;
	v24 =	vmul.f32 v24, v24;
	v30 =	vadd.f32 v30, v49  }
0x55: {  	v61 =	vld [tilespmem:s20+$0x5C0];
	v40 =	vmul.f32 v40, v40;
	v50 =	vsub.f32 v50, v11;
	v25 =	vadd.f32 v62, v25  }
0x56: {  	v60 =	vmul.f32 v52, v52;
	v42 =	vld [tilespmem:s20+$0x170];
	v30 =	vadd.f32 v38, v30;
	v62 =	vadd.f32 v45, v24  }
0x57: {  	v52 =	vmul.f32 v43, v43;
	v43 =	vld [tilespmem:s20+$0x1C0];
	v24 =	vsub.f32 v63, v15;
	v25 =	vadd.f32 v41, v25  }
0x58: {  	v58 =	vmul.f32 v48, v48;
	v48 =	vld [tilespmem:s20+$0x560];
	v30 =	vadd.f32 v33, v30;
	v33 =	vsub.f32 v57, v14  }
0x59: {  	v46 =	vmul.f32 v46, v46;
	v41 =	vld [tilespmem:s20+$0x5E0];
	v55 =	vadd.f32 v32, v25;
	v25 =	vadd.f32 v40, v39  }
0x5a: {  	v53 =	vld [tilespmem:s20+$0x5D0];
	v30 =	vadd.f32 v31, v30;
	v31 =	vmul.f32 v59, v59;
	v39 =	vsub.f32 v61, v20  }
0x5b: {  	v63 =	vld [tilespmem:s20+$0x1B0];
	v61 =	vmul.f32 v29, v29;
	v29 =	vsub.f32 v42, v15;
	v25 =	vadd.f32 v51, v25  }
0x5c: {  	v37 =	vmul.f32 v37, v37;
	v40 =	vld [tilespmem:s20+$0x540];
	v30 =	vadd.f32 v60, v30;
	v31 =	vadd.f32 v31, v62  }
0x5d: {  	v49 =	vld [tilespmem:s20+$0x570];
	v46 =	vadd.f32 v46, v55;
	v51 =	vmul.f32 v35, v35;
	v35 =	vsub.f32 v43, v13  }
0x5e: {  	v36 =	vmul.f32 v36, v36;
	v59 =	vld [tilespmem:s20+$0x530];
	v32 =	vsub.f32 v41, v22;
	v25 =	vadd.f32 v58, v25  }
0x5f: {  	v47 =	vmul.f32 v47, v47;
	v42 =	vld [tilespmem:s20+$0x580];
	v30 =	vadd.f32 v37, v30;
	v57 =	vadd.f32 v52, v31  }
0x60: {  	v27 =	vmul.f32 v27, v27;
	v41 =	vld [tilespmem:s20+$0x150];
	v58 =	vsub.f32 v54, v8;
	v31 =	vsub.f32 v63, v12  }
0x61: {  	v54 =	vld [tilespmem:s20+$0x590];
	v40 =	vsub.f32 v40, v20;
	v25 =	vadd.f32 v47, v25  }
0x62: {  	v28 =	vmul.f32 v28, v28;
	v63 =	vld [tilespmem:s20+$0x510];
	v52 =	vadd.f32 v27, v30;
	v30 =	vadd.f32 v36, v57  }
0x63: {  	v38 =	vld [tilespmem:s20+$0x120];
	v55 =	vmul.f32 v34, v34;
	v27 =	vsub.f32 v56, v23;
	v36 =	vsub.f32 v59, v19  }
0x64: {  	v47 =	vld [tilespmem:s20+$0x130];
	v62 =	vmul.f32 v58, v58;
	v59 =	vsub.f32 v42, v16;
	v45 =	vadd.f32 v28, v25  }
0x65: {  	v56 =	vld [tilespmem:s20+$0x180];
	v34 =	vmul.f32 v40, v40;
	v28 =	vsub.f32 v49, v23;
	v60 =	vadd.f32 v61, v30  }
0x66: {  	v44 =	vld [tilespmem:s20+$0x520];
	v40 =	vmul.f32 v50, v50;
	v30 =	vsub.f32 v53, v21;
	v41 =	vsub.f32 v41, v14  }
0x67: {  	v57 =	vld [tilespmem:s20+$0x100];
	v25 =	vimm.f32 $+Inf;
	v54 =	vsub.f32 v54, v17;
	v58 =	vsub.f32 v63, v17  }
0x68: {  	v53 =	vld [tilespmem:s20+$0x110];
	v61 =	vmul.f32 v26, v26;
	v49 =	vadd.f32 v62, v60;
	v45 =	vadd.f32 v52, v45  }
0x69: {  	v63 =	vld [tilespmem:s20+$0x140];
	v62 =	vsub.f32 v38, v9;
	v38 =	vmul.f32 v39, v39;
	v39 =	vsub.f32 v48, v22  }
0x6a: {  	v26 =	vimm.s32 $0x0;
	v52 =	vld [tilespmem:s20+$0x550];
	v37 =	vsub.f32 v47, v12;
	v48 =	vsub.f32 v56, v10  }
0x6b: {  	v60 =	vmul.f32 v54, v54;
	v54 =	vld [tilespmem:s20+$0x500];
	v49 =	vadd.f32 v61, v49;
	v61 =	vadd.f32 v55, v46  }
0x6c: {  	v47 =	vld [tilespmem:s20+$0x5B0];
	v46 =	vsub.f32 v44, v18;
	v44 =	vmul.f32 v62, v62;
	v55 =	vsub.f32 v57, v10  }
0x6d: {  	v57 =	vperm.xlane v45, v0;
	v62 =	vmul.f32 v59, v59;
	v50 =	vadd.f32 v51, v61  }
0x6e: {  	v56 =	vld [tilespmem:s20+$0x5A0];
	v42 =	vmul.f32 v48, v48;
	v53 =	vsub.f32 v53, v11;
	v61 =	vsub.f32 v63, v13  }
0x6f: {  	v48 =	vmul.f32 v46, v46;
	v46 =	vadd.f32 v57, v45;
	v49 =	vadd.f32 v50, v49  }
0x70: {  	v43 =	vsub.f32 v52, v21;
	v52 =	vmul.f32 v55, v55;
	v51 =	vsub.f32 v54, v16;
	v54 =	vld [tilespmem:s20+$0x160]  }
0x71: {  	v55 =	vmul.f32 v53, v53;
	v47 =	vsub.f32 v47, v19;
	v63 =	vperm.xlane v49, v0  }
0x72: {  	s25 =	simm.s32 $0x200;
	v53 =	vadd.f32 v60, v62;
	v50 =	vmul.f32 v58, v58;
	v45 =	vmul.f32 v61, v61  }
0x73: {  	s23 =	simm.s32 $0x400;
	s22 =	smov.u32 s11;
	s21 =	sadd.s32 $0x2, s11;
	v56 =	vsub.f32 v56, v18;
	v47 =	vmul.f32 v47, v47;
	v49 =	vadd.f32 v49, v63  }
.LBB2_2:
0x74: {  	s24 =	smov.u32 s25  }
0x75: {  	s26 =	sand.u32 $0x7800, s23;
	s28 =	sand.u32 $0x300, s25;
	v54 =	vsub.f32 v54, v8;
	v56 =	vmul.f32 v56, v56;
	v57 =	vmul.f32 v33, v33;
	v58 =	vld [tilespmem:s20+$0x1E0];
	s24 =	sadd.s32 $0x100, s25  }
0x76: {  	p1 =	sne.s32 s25, $0x2C00;
	v33 =	vmul.f32 v51, v51;
	v51 =	vadd.f32 v55, v52;
	v46 =	vsel vm0, v46, v49;
	v52 =	vld [tilespmem:s20+$0x1A0];
	s20 =	sor.u32 s28, s26  }
0x77: {  	v36 =	vmul.f32 v36, v36;
	v53 =	vadd.f32 v56, v53;
	v55 =	vperm.xlane v46, v1;
	v49 =	vld [tilespmem:s20+$0x5F0]  }
0x78: {  	v37 =	vmul.f32 v37, v37;
	v33 =	vadd.f32 v50, v33;
	v44 =	vadd.f32 v44, v51;
	v56 =	vld [tilespmem:s20+$0x1F0]  }
0x79: {  	v51 =	vmul.f32 v54, v54;
	v47 =	vadd.f32 v47, v53;
	v53 =	vmul.f32 v32, v32;
	v50 =	vld [tilespmem:s20+$0x570]  }
0x7a: {  	v41 =	vmul.f32 v41, v41;
	v32 =	vadd.f32 v48, v33;
	v33 =	vadd.f32 v46, v55;
	v54 =	vld [tilespmem:s20+$0x170]  }
0x7b: {  	v38 =	vadd.f32 v38, v47;
	v46 =	vld [tilespmem:s20+$0x1D0];
	v48 =	vsub.f32 v52, v9  }
0x7c: {  	v37 =	vadd.f32 v37, v44;
	v32 =	vadd.f32 v36, v32;
	v36 =	vmul.f32 v43, v43;
	v47 =	vld [tilespmem:s20+$0x5E0]  }
0x7d: {  	v39 =	vmul.f32 v39, v39;
	v40 =	vadd.f32 v40, v42;
	v42 =	vperm.xlane v33, v2;
	v43 =	vld [tilespmem:s20+$0x5D0]  }
0x7e: {  	v32 =	vadd.f32 v34, v32;
	v52 =	vsub.f32 v56, v15;
	v34 =	vmul.f32 v48, v48;
	v44 =	vld [tilespmem:s20+$0x5C0]  }
0x7f: {  	v35 =	vmul.f32 v35, v35;
	v37 =	vadd.f32 v45, v37;
	v42 =	vadd.f32 v33, v42;
	v48 =	vld [tilespmem:s20+$0x540]  }
0x80: {  	v31 =	vmul.f32 v31, v31;
	v32 =	vadd.f32 v36, v32;
	v34 =	vadd.f32 v34, v40;
	v45 =	vld [tilespmem:s20+$0x1B0]  }
0x81: {  	v36 =	vadd.f32 v41, v37;
	v37 =	vperm.xlane v42, v3;
	v33 =	vsub.f32 v46, v14;
	v40 =	vld [tilespmem:s20+$0x1C0]  }
0x82: {  	v29 =	vmul.f32 v29, v29;
	v39 =	vadd.f32 v39, v32;
	v34 =	vadd.f32 v31, v34;
	v41 =	vld [tilespmem:s20+$0x560]  }
0x83: {  	v36 =	vadd.f32 v51, v36;
	v32 =	vsub.f32 v47, v22;
	v46 =	vld [tilespmem:s20+$0x520]  }
0x84: {  	v28 =	vmul.f32 v28, v28;
	v51 =	vsub.f32 v58, v8;
	v44 =	vsub.f32 v44, v20;
	v47 =	vld [tilespmem:s20+$0x120]  }
0x85: {  	v55 =	vld [tilespmem:s20+$0x130];
	v31 =	vsub.f32 v45, v12;
	v45 =	vadd.f32 v29, v36;
	v36 =	vor.u32 s22, v4;
	s22 =	smov.u32 s21  }
0x86: {  	v58 =	vmul.f32 v30, v30;
	v37 =	vadd.f32 v42, v37;
	v39 =	vadd.f32 v28, v39;
	v56 =	vld [tilespmem:s20+$0x530]  }
0x87: {  	v34 =	vadd.f32 v35, v34;
	v35 =	vmul.f32 v51, v51;
	v29 =	vsub.f32 v54, v15;
	v42 =	vld [tilespmem:s20+$0x590]  }
0x88: {  	v28 =	vsub.f32 v50, v23;
	v51 =	vmul.f32 v27, v27;
	v27 =	vsub.f32 v49, v23;
	v50 =	vld [tilespmem:s20+$0x580]  }
0x89: {  	v30 =	vsub.f32 v43, v21;
	vm3 =	vlt.f32 v37, v25;
	v34 =	vadd.f32 v57, v34;
	v49 =	vld [tilespmem:s20+$0x510]  }
0x8a: {  	v25 =	vsel vm3, v37, v25;
	v43 =	vsub.f32 v48, v20;
	v26 =	vsel vm3, v36, v26;
	v57 =	vld [tilespmem:s20+$0x110]  }
0x8b: {  	v54 =	vmul.f32 v24, v24;
	v24 =	vmovc v52;
	v35 =	vadd.f32 v35, v34;
	v36 =	vsub.f32 v56, v19;
	v48 =	vld [tilespmem:s20+$0x190]  }
0x8c: {  	v52 =	vadd.f32 v58, v38;
	v34 =	vmul.f32 v43, v43;
	v43 =	vld [tilespmem:s20+$0x180];
	v42 =	vsub.f32 v42, v17  }
0x8d: {  	v37 =	vsub.f32 v55, v12;
	v56 =	vadd.f32 v54, v35;
	v55 =	vld [tilespmem:s20+$0x5B0]  }
0x8e: {  	v35 =	vsub.f32 v40, v13;
	v54 =	vld [tilespmem:s20+$0x100];
	v49 =	vsub.f32 v49, v17  }
0x8f: {  	v45 =	vadd.f32 v39, v45;
	v59 =	vsub.f32 v50, v16;
	v60 =	vmul.f32 v42, v42;
	v58 =	vld [tilespmem:s20+$0x150]  }
0x90: {  	v38 =	vmul.f32 v44, v44;
	v39 =	vsub.f32 v47, v9;
	v47 =	vadd.f32 v53, v52;
	v42 =	vld [tilespmem:s20+$0x140]  }
0x91: {  	v46 =	vsub.f32 v46, v18;
	v40 =	vsub.f32 v48, v11;
	v50 =	vld [tilespmem:s20+$0x550]  }
0x92: {  	v44 =	vmul.f32 v39, v39;
	v39 =	vsub.f32 v41, v22;
	v52 =	vld [tilespmem:s20+$0x500];
	v48 =	vsub.f32 v55, v19  }
0x93: {  	v43 =	vsub.f32 v43, v10;
	v40 =	vmul.f32 v40, v40;
	v53 =	vsub.f32 v54, v10  }
0x94: {  	v51 =	vadd.f32 v51, v47;
	v41 =	vsub.f32 v58, v14;
	v55 =	vld [tilespmem:s20+$0x5A0];
	v58 =	vperm.xlane v45, v0  }
0x95: {  	v47 =	vmul.f32 v48, v48;
	v61 =	vsub.f32 v42, v13;
	v42 =	vmul.f32 v43, v43  }
.Ltmp2:
0x96: {  	v62 =	vadd.f32 v51, v56;
	v48 =	vmul.f32 v46, v46;
	v43 =	vsub.f32 v50, v21;
	v54 =	vld [tilespmem:s20+$0x160];
	(pc) =	sbr.rel @p1 .LBB2_2-.Ltmp2, $4  }
0x97: {  	v57 =	vsub.f32 v57, v11;
	v50 =	vmul.f32 v49, v49;
	v51 =	vsub.f32 v52, v16  }
0x98: {  	v49 =	vmul.f32 v59, v59;
	v46 =	vadd.f32 v58, v45;
	v58 =	vperm.xlane v62, v0  }
0x99: {  	v52 =	vmul.f32 v53, v53;
	v45 =	vmul.f32 v61, v61;
	v56 =	vsub.f32 v55, v18  }
0x9a: {  	s23 =	sadd.s32 $0x200, s23;
	s25 =	smov.u32 s24;
	s21 =	sadd.s32 $0x2, s21;
	v53 =	vadd.f32 v60, v49;
	v49 =	vadd.f32 v62, v58;
	v55 =	vmul.f32 v57, v57  }
0x9b: {  	v10 =	vld [tilespmem:s20+$0x1A0];
	_ =	sdelay $0x1  }
0x9c: {  	v11 =	vmul.f32 v51, v51  }
0x9d: {  	v13 =	vmul.f32 v56, v56;
	v14 =	vmul.f32 v33, v33  }
0x9e: {  	v12 =	vsub.f32 v54, v8;
	v16 =	vmul.f32 v36, v36;
	v37 =	vmul.f32 v37, v37  }
0x9f: {  	v17 =	vadd.f32 v40, v42;
	v18 =	vld [tilespmem:s20+$0x1E0];
	v19 =	vmul.f32 v32, v32;
	v9 =	vsub.f32 v10, v9  }
0xa0: {  	v41 =	vmul.f32 v41, v41;
	v15 =	vadd.f32 v55, v52;
	v11 =	vadd.f32 v50, v11  }
0xa1: {  	v42 =	vmul.f32 v31, v31;
	v13 =	vadd.f32 v13, v53;
	v9 =	vmul.f32 v9, v9  }
0xa2: {  	v43 =	vmul.f32 v43, v43;
	v36 =	vadd.f32 v44, v15;
	v11 =	vadd.f32 v48, v11  }
0xa3: {  	v20 =	vmul.f32 v35, v35;
	v13 =	vadd.f32 v47, v13;
	v9 =	vadd.f32 v9, v17  }
0xa4: {  	v51 =	vmul.f32 v24, v24;
	v10 =	vadd.f32 v37, v36;
	v8 =	vsub.f32 v18, v8  }
0xa5: {  	v12 =	vmul.f32 v12, v12;
	v11 =	vadd.f32 v16, v11;
	v9 =	vadd.f32 v42, v9  }
0xa6: {  	v13 =	vadd.f32 v38, v13;
	v10 =	vadd.f32 v45, v10;
	v45 =	vmul.f32 v30, v30  }
0xa7: {  	v50 =	vmul.f32 v27, v27;
	v11 =	vadd.f32 v34, v11;
	v9 =	vadd.f32 v20, v9  }
0xa8: {  	v44 =	vmul.f32 v39, v39;
	v10 =	vadd.f32 v41, v10;
	v13 =	vadd.f32 v45, v13  }
0xa9: {  	v8 =	vmul.f32 v8, v8;
	v11 =	vadd.f32 v43, v11;
	v9 =	vadd.f32 v14, v9  }
0xaa: {  	v47 =	vmul.f32 v29, v29;
	v10 =	vadd.f32 v12, v10;
	v13 =	vadd.f32 v19, v13  }
0xab: {  	v48 =	vmul.f32 v28, v28;
	v11 =	vadd.f32 v44, v11;
	v8 =	vadd.f32 v8, v9  }
0xac: {  	v10 =	vadd.f32 v47, v10;
	v52 =	vadd.f32 v50, v13  }
0xad: {  	v11 =	vadd.f32 v48, v11;
	v8 =	vadd.f32 v51, v8;
	_ =	sdelay $0x1  }
0xae: {  	v10 =	vadd.f32 v11, v10;
	v8 =	vadd.f32 v52, v8;
	_ =	sdelay $0x1  }
0xaf: {  	v53 =	vperm.xlane v10, v0;
	v54 =	vperm.xlane v8, v0;
	_ =	sdelay $0x1  }
0xb0: {  	v55 =	vsel vm0, v46, v49;
	v9 =	vadd.f32 v53, v10;
	v8 =	vadd.f32 v8, v54  }
0xb1: {  	v56 =	vperm.xlane v55, v1  }
0xb2: {  	v8 =	vsel vm0, v9, v8  }
0xb3: {  	v57 =	vadd.f32 v55, v56;
	v58 =	vperm.xlane v8, v1;
	_ =	sdelay $0x1  }
0xb4: {  	v59 =	vperm.xlane v57, v2;
	v8 =	vadd.f32 v8, v58;
	_ =	sdelay $0x1  }
0xb5: {  	v9 =	vadd.f32 v57, v59;
	v10 =	vperm.xlane v8, v2;
	_ =	sdelay $0x1  }
0xb6: {  	v11 =	vperm.xlane v9, v3;
	v8 =	vadd.f32 v8, v10;
	_ =	sdelay $0x1  }
0xb7: {  	v9 =	vadd.f32 v9, v11;
	v10 =	vperm.xlane v8, v3;
	_ =	sdelay $0x1  }
0xb8: {  	vm3 =	vlt.f32 v9, v25;
	v8 =	vadd.f32 v8, v10  }
0xb9: {  	v60 =	vor.u32 s22, v4;
	v9 =	vsel vm3, v9, v25  }
0xba: {  	v61 =	vor.u32 s21, v4;
	v10 =	vsel vm3, v60, v26;
	vm3 =	vlt.f32 v8, v9  }
0xbb: {  	v8 =	vsel vm3, v8, v9;
	v62 =	vsel vm3, v61, v10  }
0xbc: {  	v63 =	vperm.xlane v8, v0;
	v11 =	vperm.xlane v62, v0;
	_ =	sdelay $0x1  }
0xbd: {  	vm3 =	veq.f32 v63, v8;
	vm4 =	vlt.s32 v11, v62  }
0xbe: {  	vm5 =	vlt.f32 v63, v8;
	vm3 =	vmand vm3, vm4  }
0xbf: {  	vm3 =	vmor vm5, vm3  }
0xc0: {  	v8 =	vsel vm3, v63, v8;
	v9 =	vsel vm3, v11, v62  }
0xc1: {  	v10 =	vperm.xlane v8, v5;
	v11 =	vperm.xlane v9, v5;
	_ =	sdelay $0x1  }
0xc2: {  	vm3 =	veq.f32 v10, v8;
	vm10 =	vlt.s32 v11, v9  }
0xc3: {  	vm11 =	vlt.f32 v10, v8;
	vm3 =	vmand vm3, vm10  }
0xc4: {  	vm3 =	vmor vm11, vm3  }
0xc5: {  	v8 =	vsel vm3, v10, v8;
	v9 =	vsel vm3, v11, v9  }
0xc6: {  	v10 =	vperm.xlane v8, v6;
	v11 =	vperm.xlane v9, v6;
	_ =	sdelay $0x1  }
0xc7: {  	vm3 =	veq.f32 v10, v8;
	vm12 =	vlt.s32 v11, v9  }
0xc8: {  	vm13 =	vlt.f32 v10, v8;
	vm3 =	vmand vm3, vm12  }
0xc9: {  	vm3 =	vmor vm13, vm3  }
0xca: {  	v8 =	vsel vm3, v10, v8;
	v9 =	vsel vm3, v11, v9  }
0xcb: {  	v10 =	vperm.xlane v8, v7;
	v11 =	vperm.xlane v9, v7;
	_ =	sdelay $0x1  }
0xcc: {  	vm3 =	veq.f32 v10, v8;
	vm14 =	vlt.s32 v11, v9  }
0xcd: {  	vm15 =	vlt.f32 v10, v8;
	vm3 =	vmand vm3, vm14  }
0xce: {  	vm3 =	vmor vm15, vm3  }
0xcf: {  	v8 =	vsel vm3, v10, v8  }
0xd0: {  	v9 =	vsel vm3, v11, v9;
	[tilespmem:$0x6100] =	vst v8  }
0xd1: {  	[tilespmem:$0x6180] =	vst v9  }
0xd2: {  	[spmem:s6] =	stream.linear.scatter [tilespmem:s15], [sflag:$0x2], $0x10, $0x38;
	[tilespmem:$0x6420] =	vst v63  }
0xd3: {  	_ =	swait.ge [sflag:s13], $0x10  }
0xd4: {  	[sflag:s13] =	ssyncset.done $0x0  }
0xd5: {  	[sflag:s13] =	ssyncadd.s32 $0xFFFFFFF0  }
0xd6: {  	[spmem:s7] =	stream.linear.scatter [tilespmem:s16], [sflag:$0x2], $0x10, $0x38;
	[tilespmem:$0x6420] =	vst v63  }
.Ltmp3:
0xd7: {  	_ =	swait.ge [sflag:s13], $0x10;
	(pc) =	sbr.rel @p0 .LBB2_5-.Ltmp3, $3  }
0xd8: {  	[sflag:s13] =	ssyncset.done $0x0  }
0xd9: {  	[sflag:s13] =	ssyncadd.s32 $0xFFFFFFF0  }
0xda: {  	[bflag:$0x0] =	sbarrier.arrive $0xFFFF;
	_ =	sdelay $0x1  }
0xdb: {  	[tilespmem:s17], [sflag:$0x2] =	stream.linear.gather [spmem:s2], $0x100, $0x38;
	[tilespmem:$0x6420] =	vst v63  }
0xdc: {  	_ =	swait.ge [sflag:s13], $0x100  }
0xdd: {  	[sflag:s13] =	ssyncset.done $0x0  }
0xde: {  	[sflag:s13] =	ssyncadd.s32 $0xFFFFFF00  }
0xdf: {  	[tilespmem:s18], [sflag:$0x2] =	stream.linear.gather [spmem:s3], $0x100, $0x38;
	[tilespmem:$0x6420] =	vst v63  }
0xe0: {  	_ =	swait.ge [sflag:s13], $0x100  }
0xe1: {  	[sflag:s13] =	ssyncset.done $0x0  }
0xe2: {  	[sflag:s13] =	ssyncadd.s32 $0xFFFFFF00  }
0xe3: {  	v8 =	vld [tilespmem:$0x6200]  }
0xe4: {  	v9 =	vld [tilespmem:$0x6300]  }
0xe5: {  	v10 =	vld [tilespmem:$0x6210]  }
0xe6: {  	v11 =	vld [tilespmem:$0x6310];
	_ =	sdelay $0x2  }
0xe7: {  	v12 =	vld [tilespmem:$0x6220]  }
0xe8: {  	v13 =	vld [tilespmem:$0x6320]  }
0xe9: {  	vm3 =	veq.f32 v10, v8;
	vm4 =	vlt.s32 v11, v9  }
0xea: {  	vm12 =	vlt.f32 v10, v8;
	vm3 =	vmand vm3, vm4  }
0xeb: {  	v14 =	vld [tilespmem:$0x6230];
	vm3 =	vmor vm12, vm3  }
0xec: {  	v38 =	vld [tilespmem:$0x6330];
	v8 =	vsel vm3, v10, v8;
	v9 =	vsel vm3, v11, v9  }
0xed: {  	vm3 =	veq.f32 v12, v8;
	vm13 =	vlt.s32 v13, v9  }
0xee: {  	vm14 =	vlt.f32 v12, v8;
	vm3 =	vmand vm3, vm13  }
0xef: {  	v39 =	vld [tilespmem:$0x6240];
	vm3 =	vmor vm14, vm3  }
0xf0: {  	v40 =	vld [tilespmem:$0x6340];
	v8 =	vsel vm3, v12, v8;
	v9 =	vsel vm3, v13, v9  }
0xf1: {  	vm3 =	veq.f32 v14, v8;
	vm15 =	vlt.s32 v38, v9  }
0xf2: {  	vm8 =	vlt.f32 v14, v8;
	vm3 =	vmand vm3, vm15  }
0xf3: {  	v41 =	vld [tilespmem:$0x6250];
	vm3 =	vmor vm8, vm3  }
0xf4: {  	v42 =	vld [tilespmem:$0x6350];
	v8 =	vsel vm3, v14, v8;
	v9 =	vsel vm3, v38, v9  }
0xf5: {  	vm3 =	veq.f32 v39, v8;
	vm9 =	vlt.s32 v40, v9  }
0xf6: {  	vm10 =	vlt.f32 v39, v8;
	vm3 =	vmand vm3, vm9  }
0xf7: {  	v43 =	vld [tilespmem:$0x6260];
	vm3 =	vmor vm10, vm3  }
0xf8: {  	v44 =	vld [tilespmem:$0x6360];
	v8 =	vsel vm3, v39, v8;
	v9 =	vsel vm3, v40, v9  }
0xf9: {  	vm3 =	veq.f32 v41, v8;
	vm11 =	vlt.s32 v42, v9  }
0xfa: {  	vm12 =	vlt.f32 v41, v8;
	vm3 =	vmand vm3, vm11  }
0xfb: {  	v45 =	vld [tilespmem:$0x6270];
	vm3 =	vmor vm12, vm3  }
0xfc: {  	v46 =	vld [tilespmem:$0x6370];
	v8 =	vsel vm3, v41, v8;
	v9 =	vsel vm3, v42, v9  }
0xfd: {  	vm3 =	veq.f32 v43, v8;
	vm13 =	vlt.s32 v44, v9  }
0xfe: {  	vm14 =	vlt.f32 v43, v8;
	vm3 =	vmand vm3, vm13  }
0xff: {  	v47 =	vld [tilespmem:$0x6280];
	vm3 =	vmor vm14, vm3  }
0x100: {  	v48 =	vld [tilespmem:$0x6380];
	v8 =	vsel vm3, v43, v8;
	v9 =	vsel vm3, v44, v9  }
0x101: {  	vm3 =	veq.f32 v45, v8;
	vm15 =	vlt.s32 v46, v9  }
0x102: {  	vm8 =	vlt.f32 v45, v8;
	vm3 =	vmand vm3, vm15  }
0x103: {  	v49 =	vld [tilespmem:$0x6290];
	vm3 =	vmor vm8, vm3  }
0x104: {  	v50 =	vld [tilespmem:$0x6390];
	v8 =	vsel vm3, v45, v8;
	v9 =	vsel vm3, v46, v9  }
0x105: {  	vm3 =	veq.f32 v47, v8;
	vm9 =	vlt.s32 v48, v9  }
0x106: {  	vm10 =	vlt.f32 v47, v8;
	vm3 =	vmand vm3, vm9  }
0x107: {  	v51 =	vld [tilespmem:$0x62A0];
	vm3 =	vmor vm10, vm3  }
0x108: {  	v52 =	vld [tilespmem:$0x63A0];
	v8 =	vsel vm3, v47, v8;
	v9 =	vsel vm3, v48, v9  }
0x109: {  	vm3 =	veq.f32 v49, v8;
	vm11 =	vlt.s32 v50, v9  }
0x10a: {  	vm12 =	vlt.f32 v49, v8;
	vm3 =	vmand vm3, vm11  }
0x10b: {  	v53 =	vld [tilespmem:$0x62B0];
	vm3 =	vmor vm12, vm3  }
0x10c: {  	v54 =	vld [tilespmem:$0x63B0];
	v8 =	vsel vm3, v49, v8;
	v9 =	vsel vm3, v50, v9  }
0x10d: {  	vm3 =	veq.f32 v51, v8;
	vm13 =	vlt.s32 v52, v9  }
0x10e: {  	vm14 =	vlt.f32 v51, v8;
	vm3 =	vmand vm3, vm13  }
0x10f: {  	v55 =	vld [tilespmem:$0x62C0];
	vm3 =	vmor vm14, vm3  }
0x110: {  	v56 =	vld [tilespmem:$0x63C0];
	v8 =	vsel vm3, v51, v8;
	v9 =	vsel vm3, v52, v9  }
0x111: {  	vm3 =	veq.f32 v53, v8;
	vm15 =	vlt.s32 v54, v9  }
0x112: {  	vm8 =	vlt.f32 v53, v8;
	vm3 =	vmand vm3, vm15  }
0x113: {  	v57 =	vld [tilespmem:$0x62D0];
	vm3 =	vmor vm8, vm3  }
0x114: {  	v58 =	vld [tilespmem:$0x63D0];
	v8 =	vsel vm3, v53, v8;
	v9 =	vsel vm3, v54, v9  }
0x115: {  	vm3 =	veq.f32 v55, v8;
	vm9 =	vlt.s32 v56, v9  }
0x116: {  	vm10 =	vlt.f32 v55, v8;
	vm3 =	vmand vm3, vm9  }
0x117: {  	v59 =	vld [tilespmem:$0x62E0];
	vm3 =	vmor vm10, vm3  }
0x118: {  	v60 =	vld [tilespmem:$0x63E0];
	v8 =	vsel vm3, v55, v8;
	v9 =	vsel vm3, v56, v9  }
0x119: {  	vm3 =	veq.f32 v57, v8;
	vm11 =	vlt.s32 v58, v9  }
0x11a: {  	vm12 =	vlt.f32 v57, v8;
	vm3 =	vmand vm3, vm11  }
0x11b: {  	v61 =	vld [tilespmem:$0x62F0];
	vm3 =	vmor vm12, vm3  }
0x11c: {  	v62 =	vld [tilespmem:$0x63F0];
	v8 =	vsel vm3, v57, v8;
	v9 =	vsel vm3, v58, v9  }
0x11d: {  	vm3 =	veq.f32 v59, v8;
	vm13 =	vlt.s32 v60, v9  }
0x11e: {  	vm14 =	vlt.f32 v59, v8;
	vm3 =	vmand vm3, vm13  }
0x11f: {  	vm3 =	vmor vm14, vm3  }
0x120: {  	v8 =	vsel vm3, v59, v8;
	v9 =	vsel vm3, v60, v9  }
0x121: {  	vm3 =	veq.f32 v61, v8;
	vm15 =	vlt.s32 v62, v9  }
0x122: {  	vm5 =	vlt.f32 v61, v8;
	vm3 =	vmand vm3, vm15  }
0x123: {  	vm3 =	vmor vm5, vm3  }
0x124: {  	v9 =	vsel vm3, v62, v9  }
0x125: {  	v10 =	vcvt.s32.f32 v9;
	_ =	sdelay $0x1  }
0x126: {  	v10 =	vmul.f32 $1.111111140e-02, v10;
	_ =	sdelay $0x1  }
0x127: {  	v10 =	vtrunc.f32 v10  }
0x128: {  	v10 =	vcvt.f32.s32 v10;
	_ =	sdelay $0x1  }
0x129: {  	v63 =	vmul.u32 $0xFFFFFFA6, v10;
	_ =	sdelay $0x1  }
0x12a: {  	v11 =	vadd.s32 v9, v63  }
0x12b: {  	v8 =	vsel vm3, v61, v8;
	v10 =	vsel vm1, v10, v11  }
0x12c: {  	[tilespmem:$0x6100] =	vst v8;
	v9 =	vsel vm2, v10, v9  }
0x12d: {  	[tilespmem:$0x6180] =	vst v9  }
0x12e: {  	[hbm4b:s8+s4] =	stream.linear.scatter [tilespmem:s15], [sflag:$0x2], $0x10, $0x38;
	[tilespmem:$0x6420] =	vst v63  }
0x12f: {  	_ =	swait.ge [sflag:s13], $0x10  }
0x130: {  	[sflag:s13] =	ssyncset.done $0x0  }
.Ltmp4:
0x131: {  	[sflag:s13] =	ssyncadd.s32 $0xFFFFFFF0;
	(pc) =	sbr.rel .LBB2_5-.Ltmp4, $4  }
0x132: {  	[hbm4b:s9+s4] =	stream.linear.scatter [tilespmem:s16], [sflag:$0x2], $0x10, $0x38;
	[tilespmem:$0x6420] =	vst v63  }
0x133: {  	_ =	swait.ge [sflag:s13], $0x10  }
0x134: {  	[sflag:s13] =	ssyncset.done $0x0  }
0x135: {  	[sflag:s13] =	ssyncadd.s32 $0xFFFFFFF0  }
.LBB2_6:
0x136: {  	_ =	sfence.sel $0x180000  }
0x137: {  	[bflag:$0x0] =	sbarrier.arrive $0xFFFF  }
0x138: {  	_ =	strace $0x90000047  }
0x139: {  	s0 =	sadd.s32 @!p0 $0x100000, s1;
	[bflag:$0x2] =	sbarrier.arrive $0xFFFF  }
0x13a: {  	[sflag:s0] =	ssyncadd.tile.s32 @!p0 $0x1;
	_ =	shalt  }
.Lfunc_end2:
_tile_overlayer_lowered:
.L_overlay_start_2:
0x13b: {  	(tag) =	ssettag $0x2  }
0x13c: {  	s0 =	rddreg [dreg:$0x0];
	s2 =	stileid.u32  }
0x13d: {  	s1 =	rddreg [dreg:$0x1];
	p0 =	sne.s32 s2, $0x0  }
0x13e: {  	s3 =	rddreg [dreg:$0x2];
	[bflag:$0x3] =	sbarrier.arrive $0xFFFF;
	s2 =	simm.s32 @!p0 $0x1C02  }
0x13f: {  	[timem:s3], [sflag:s2] =	dma.local @!p0 [hbm:s0], s1  }
0x140: {  	s0 =	simm.s32 @!p0 $0x2  }
0x141: {  	_ =	swait.ge @!p0 [sflag:s0], s1  }
0x142: {  	s1 =	ssub.s32 @!p0 $0x0, s1;
	[sflag:s0] =	ssyncset.done @!p0 $0x0  }
0x143: {  	[sflag:s0] =	ssyncadd.s32 @!p0 s1  }
0x144: {  	[bflag:$0x3] =	sbarrier.arrive $0xFFFF  }
0x145: {  	_ =	shalt  }

</sc_bundles>
